<compile_context>
chip_gen: v7x
topology: tpu7x:2x2x1
jax: 0.10.2.dev20260603
libtpu: 0.0.44.dev20260713+nightly
codegen_flags: <defaults>
</compile_context>

<pallas_src>
import functools

import jax
import jax.numpy as jnp
from jax import lax
from jax.experimental import pallas as pl
from jax.experimental.pallas import tpu as pltpu
from jax.experimental.pallas import tpu_sc as plsc

N_NODES = 10000
N_EDGES = 320000
D_FEAT = 128

NUM_CORES = 2
NUM_SUBCORES = 16
NW = NUM_CORES * NUM_SUBCORES

CHUNK = 128
NGRP = 39
NBUF = 2
E_W = NGRP * NBUF * CHUNK
EXTRA_BASE = NW * E_W

ROWS_PER_TILE = 632
N_PAD = NUM_SUBCORES * ROWS_PER_TILE

ROW_BLOCK = 2000
N_BLOCKS = N_NODES // ROW_BLOCK


def _sc_agg_body(x_hbm, ei_hbm, zeros_hbm, agg_hbm,
                 sd_v, sdt_v, rows_v, agg_sh, *sems):
    gsem = sems[:NBUF]
    ssem = sems[NBUF:2 * NBUF]
    isem = sems[2 * NBUF]
    c = lax.axis_index("c")
    s = lax.axis_index("s")
    w = c * NUM_SUBCORES + s
    wo = w * E_W

    def idx_copy(g, slot, fn):
        for b in range(NBUF):
            off = wo + g * (NBUF * CHUNK) + b * CHUNK
            fn(ei_hbm.at[pl.ds(0, 2), pl.ds(off, CHUNK)], sd_v.at[slot, b])

    idx_copy(0, 0, pltpu.sync_copy)
    idx_copy(1, 1, lambda a, v: pltpu.async_copy(a, v, isem))
    for b in range(NBUF):
        pltpu.async_copy(x_hbm.at[sd_v.at[0, b, 0]], rows_v.at[b], gsem[b])
    pltpu.sync_copy(zeros_hbm, agg_sh.at[pl.ds(s * ROWS_PER_TILE, ROWS_PER_TILE)])
    plsc.subcore_barrier()

    def grp(g, carry):
        p = g & 1
        q = 1 - p
        idx_copy(g, q, lambda a, v: pltpu.make_async_copy(a, v, isem).wait())
        for b in range(NBUF):
            pltpu.make_async_copy(
                x_hbm.at[sd_v.at[p, b, 0]], rows_v.at[b], gsem[b]).wait()
            pltpu.async_copy(
                rows_v.at[b], agg_sh.at[sd_v.at[p, b, 1]], ssem[b], add=True)
            pltpu.make_async_copy(
                rows_v.at[b], agg_sh.at[sd_v.at[p, b, 1]], ssem[b]).wait()
            pltpu.async_copy(
                x_hbm.at[sd_v.at[q, b, 0]], rows_v.at[b], gsem[b])
        gnext = jnp.minimum(g + 2, NGRP - 1)
        idx_copy(gnext, p, lambda a, v: pltpu.async_copy(a, v, isem))
        return carry

    lax.fori_loop(0, NGRP - 1, grp, 0)

    pl_ = (NGRP - 1) & 1
    idx_copy(0, 1 - pl_, lambda a, v: pltpu.make_async_copy(a, v, isem).wait())
    for b in range(NBUF):
        pltpu.make_async_copy(
            x_hbm.at[sd_v.at[pl_, b, 0]], rows_v.at[b], gsem[b]).wait()
        pltpu.sync_copy(rows_v.at[b], agg_sh.at[sd_v.at[pl_, b, 1]], add=True)

    @pl.when(s < (N_EDGES - EXTRA_BASE) // CHUNK // NUM_CORES)
    def _extra():
        eo = EXTRA_BASE + (c * 2 + s) * CHUNK
        pltpu.sync_copy(ei_hbm.at[pl.ds(0, 2), pl.ds(eo, CHUNK)], sdt_v)
        pltpu.sync_copy(x_hbm.at[sdt_v.at[0]], rows_v.at[0])
        pltpu.sync_copy(rows_v.at[0], agg_sh.at[sdt_v.at[1]], add=True)

    plsc.subcore_barrier()

    pltpu.sync_copy(
        agg_sh.at[pl.ds(s * ROWS_PER_TILE, ROWS_PER_TILE)],
        agg_hbm.at[pl.ds(c * N_PAD + s * ROWS_PER_TILE, ROWS_PER_TILE)],
    )


_sc_agg = functools.partial(
    pl.kernel,
    out_type=jax.ShapeDtypeStruct((NUM_CORES * N_PAD, D_FEAT), jnp.float32),
    mesh=plsc.VectorSubcoreMesh(core_axis_name="c", subcore_axis_name="s"),
    scratch_types=[
        pltpu.VMEM((2, NBUF, 2, CHUNK), jnp.int32),
        pltpu.VMEM((2, CHUNK), jnp.int32),
        pltpu.VMEM((NBUF, CHUNK, D_FEAT), jnp.float32),
        pltpu.VMEM_SHARED((N_PAD, D_FEAT), jnp.float32),
    ] + [pltpu.SemaphoreType.DMA] * (2 * NBUF + 1),
)(_sc_agg_body)


def _tc_self_body(x_ref, ws_ref, b_ref, o_ref):
    o_ref[...] = jnp.dot(
        x_ref[...], ws_ref[...], preferred_element_type=jnp.float32) + b_ref[...]


def _tc_body(agg_ref, self_ref, w_ref, o_ref):
    a = agg_ref[0] + agg_ref[1]
    acc = jnp.dot(a, w_ref[...], preferred_element_type=jnp.float32)
    o_ref[...] = jnp.maximum(acc + self_ref[...], 0.0)


@jax.jit
def kernel(x, edge_index, W, W_self, b):
    zeros = jnp.zeros((ROWS_PER_TILE, D_FEAT), jnp.float32)

    self_out = pl.pallas_call(
        _tc_self_body,
        grid=(N_BLOCKS,),
        in_specs=[
            pl.BlockSpec((ROW_BLOCK, D_FEAT), lambda i: (i, 0)),
            pl.BlockSpec((D_FEAT, D_FEAT), lambda i: (0, 0)),
            pl.BlockSpec((1, D_FEAT), lambda i: (0, 0)),
        ],
        out_specs=pl.BlockSpec((ROW_BLOCK, D_FEAT), lambda i: (i, 0)),
        out_shape=jax.ShapeDtypeStruct((N_NODES, D_FEAT), jnp.float32),
    )(x, W_self, b.reshape(1, D_FEAT))

    agg = _sc_agg(x, edge_index, zeros)
    agg = agg.reshape(NUM_CORES, N_PAD, D_FEAT)

    out = pl.pallas_call(
        _tc_body,
        grid=(N_BLOCKS,),
        in_specs=[
            pl.BlockSpec((NUM_CORES, ROW_BLOCK, D_FEAT), lambda i: (0, i, 0)),
            pl.BlockSpec((ROW_BLOCK, D_FEAT), lambda i: (i, 0)),
            pl.BlockSpec((D_FEAT, D_FEAT), lambda i: (0, 0)),
        ],
        out_specs=pl.BlockSpec((ROW_BLOCK, D_FEAT), lambda i: (i, 0)),
        out_shape=jax.ShapeDtypeStruct((N_NODES, D_FEAT), jnp.float32),
    )(agg, self_out, W)
    return out

# --- scband reference (transcript-rebuilt; emitter-appended) ---
"""Pipeline reference for scband-hdnet-21431886807231 (READ-ONLY COPY).

The authoritative reference and input builder live on the scoring server;
editing this copy changes nothing except your own understanding.
"""

import jax, jax.numpy as jnp
import numpy as np

N_NODES = 10000
N_EDGES = 320000
D_FEAT = 128


def setup_inputs(seed: int = 0) -> dict:
    key = jax.random.key(seed)
    k1, k2, k3, k4, k5 = jax.random.split(key, 5)
    x = jax.random.normal(k1, (N_NODES, D_FEAT), dtype=jnp.float32)
    edge_index = jax.random.randint(k2, (2, N_EDGES), 0, N_NODES, dtype=jnp.int32)
    W = jax.random.normal(k3, (D_FEAT, D_FEAT), dtype=jnp.float32) * (1.0 / np.sqrt(D_FEAT))
    W_self = jax.random.normal(k4, (D_FEAT, D_FEAT), dtype=jnp.float32) * (1.0 / np.sqrt(D_FEAT))
    b = jax.random.normal(k5, (D_FEAT,), dtype=jnp.float32) * 0.01
    return {"x": x, "edge_index": edge_index, "W": W, "W_self": W_self, "b": b}


def reference(x, edge_index, W, W_self, b):
    # Hypergraph/graph message passing over directed edges:
    # gather source-node features along each edge (memory-bound gather),
    # scatter-add (segment_sum) messages onto destination nodes,
    # then a linear transform with a self-loop term and ReLU.
    src = edge_index[0]
    dst = edge_index[1]
    msgs = jnp.take(x, src, axis=0)                      # [E, D] gather
    agg = jax.ops.segment_sum(msgs, dst, num_segments=N_NODES)  # [N, D] scatter-add
    out = agg @ W + x @ W_self + b
    return jax.nn.relu(out)

if __name__ == "__main__":
    import jax
    _d = setup_inputs()
    print(jax.jit(kernel)(*tuple(_d.values())))

</pallas_src>

<mosaic_0001>
#map = affine_map<(d0, d1) -> (0, 0)>
module attributes {stable_mosaic.version = 14 : i64} {
  func.func @_sc_agg_body(%arg0: i32, %arg1: i32, %arg2: memref<10000x128xf32, #tpu.memory_space<hbm>>, %arg3: memref<2x320000xi32, #tpu.memory_space<hbm>>, %arg4: memref<632x128xf32, #tpu.memory_space<hbm>>, %arg5: memref<20224x128xf32, #tpu.memory_space<hbm>>, %arg6: memref<2x2x2x128xi32, #tpu.memory_space<vmem>>, %arg7: memref<2x128xi32, #tpu.memory_space<vmem>>, %arg8: memref<2x128x128xf32, #tpu.memory_space<vmem>>, %arg9: memref<10112x128xf32, #tpu.memory_space<vmem_shared>>, %arg10: memref<!tpu.dma_semaphore, #tpu.memory_space<semaphore_mem>>, %arg11: memref<!tpu.dma_semaphore, #tpu.memory_space<semaphore_mem>>, %arg12: memref<!tpu.dma_semaphore, #tpu.memory_space<semaphore_mem>>, %arg13: memref<!tpu.dma_semaphore, #tpu.memory_space<semaphore_mem>>, %arg14: memref<!tpu.dma_semaphore, #tpu.memory_space<semaphore_mem>>) attributes {dimension_semantics = [#tpu.dimension_semantics<core_parallel>, #tpu.dimension_semantics<subcore_parallel>], iteration_bounds = array<i64: 2, 16>, scalar_prefetch = 0 : i64, scratch_operands = 9 : i64, tpu.core_type = #tpu.core_type<sc_vector_subcore>, window_params = [{transform_indices = #map}, {transform_indices = #map}, {transform_indices = #map}, {transform_indices = #map}]} {
    %mul3A = arith.constant 16 : i32
    %mul3A_0 = arith.muli %arg0, %mul3A : i32
    %add3A = arith.addi %mul3A_0, %arg1 : i32
    %mul3A_1 = arith.constant 9984 : i32
    %mul3A_2 = arith.muli %add3A, %mul3A_1 : i32
    %add3A_3 = arith.constant 0 : i32
    %add3A_4 = arith.addi %mul3A_2, %add3A_3 : i32
    %add3A_5 = arith.constant 0 : i32
    %add3A_6 = arith.addi %add3A_4, %add3A_5 : i32
    %run_scoped3A = arith.constant 0 : i32
    %run_scoped3A_7 = arith.constant 0 : i32
    "tpu.region"() ({
      %run_scoped3A_165 = tpu.sem_alloc : memref<!tpu.dma_semaphore, #tpu.memory_space<semaphore_mem>>
      %dma_start3A_166 = arith.constant 0 : i32
      %dma_start3A_167 = arith.constant 0 : i32
      %dma_start3A_168 = tpu.memref_slice %arg6[%run_scoped3A, %run_scoped3A_7, %dma_start3A_166, %dma_start3A_167] : memref<2x2x2x128xi32, #tpu.memory_space<vmem>> -> memref<1x1x2x128xi32, #tpu.memory_space<vmem>>
      %dma_start3A_169 = tpu.memref_squeeze %dma_start3A_168 : memref<1x1x2x128xi32, #tpu.memory_space<vmem>> -> memref<2x128xi32, #tpu.memory_space<vmem>>
      %dma_start3A_170 = arith.constant 0 : i32
      %dma_start3A_171 = tpu.memref_slice %arg3[%dma_start3A_170, %add3A_6] : memref<2x320000xi32, #tpu.memory_space<hbm>> -> memref<2x128xi32, #tpu.memory_space<hbm>>
      %dma_start3A_172 = arith.constant 0 : i32
      %dma_start3A_173 = arith.constant 0 : i32
      %dma_start3A_174 = tpu.memref_slice %arg6[%run_scoped3A, %run_scoped3A_7, %dma_start3A_172, %dma_start3A_173] : memref<2x2x2x128xi32, #tpu.memory_space<vmem>> -> memref<1x1x2x128xi32, #tpu.memory_space<vmem>>
      %dma_start3A_175 = tpu.memref_squeeze %dma_start3A_174 : memref<1x1x2x128xi32, #tpu.memory_space<vmem>> -> memref<2x128xi32, #tpu.memory_space<vmem>>
      %dma_start3A_176 = arith.constant 0 : i32
      %dma_start3A_177 = tpu.memref_slice %arg3[%dma_start3A_176, %add3A_6] : memref<2x320000xi32, #tpu.memory_space<hbm>> -> memref<2x128xi32, #tpu.memory_space<hbm>>
      tpu.enqueue_dma source(%dma_start3A_177 : memref<2x128xi32, #tpu.memory_space<hbm>>) target(%dma_start3A_175 : memref<2x128xi32, #tpu.memory_space<vmem>>) target_semaphore(%run_scoped3A_165 : memref<!tpu.dma_semaphore, #tpu.memory_space<semaphore_mem>>)
      %dma_wait3A_178 = arith.constant 0 : i32
      %dma_wait3A_179 = arith.constant 0 : i32
      %dma_wait3A_180 = tpu.memref_slice %arg6[%run_scoped3A, %run_scoped3A_7, %dma_wait3A_178, %dma_wait3A_179] : memref<2x2x2x128xi32, #tpu.memory_space<vmem>> -> memref<1x1x2x128xi32, #tpu.memory_space<vmem>>
      %dma_wait3A_181 = tpu.memref_squeeze %dma_wait3A_180 : memref<1x1x2x128xi32, #tpu.memory_space<vmem>> -> memref<2x128xi32, #tpu.memory_space<vmem>>
      %dma_wait3A_182 = arith.constant 0 : i32
      %dma_wait3A_183 = tpu.memref_slice %arg3[%dma_wait3A_182, %add3A_6] : memref<2x320000xi32, #tpu.memory_space<hbm>> -> memref<2x128xi32, #tpu.memory_space<hbm>>
      %dma_wait3A_184 = arith.constant 0 : i32
      %dma_wait3A_185 = arith.constant 0 : i32
      %dma_wait3A_186 = tpu.memref_slice %arg6[%run_scoped3A, %run_scoped3A_7, %dma_wait3A_184, %dma_wait3A_185] : memref<2x2x2x128xi32, #tpu.memory_space<vmem>> -> memref<1x1x2x128xi32, #tpu.memory_space<vmem>>
      %dma_wait3A_187 = tpu.memref_squeeze %dma_wait3A_186 : memref<1x1x2x128xi32, #tpu.memory_space<vmem>> -> memref<2x128xi32, #tpu.memory_space<vmem>>
      %dma_wait3A_188 = arith.constant 0 : i32
      %dma_wait3A_189 = tpu.memref_slice %arg3[%dma_wait3A_188, %add3A_6] : memref<2x320000xi32, #tpu.memory_space<hbm>> -> memref<2x128xi32, #tpu.memory_space<hbm>>
      tpu.wait_dma2 semaphore(%run_scoped3A_165 : memref<!tpu.dma_semaphore, #tpu.memory_space<semaphore_mem>>) src(%dma_wait3A_189 : memref<2x128xi32, #tpu.memory_space<hbm>>) dst(%dma_wait3A_187 : memref<2x128xi32, #tpu.memory_space<vmem>>)
      tpu.yield
    }) : () -> ()
    %add3A_8 = arith.constant 0 : i32
    %add3A_9 = arith.addi %mul3A_2, %add3A_8 : i32
    %add3A_10 = arith.constant 128 : i32
    %add3A_11 = arith.addi %add3A_9, %add3A_10 : i32
    %run_scoped3A_12 = arith.constant 0 : i32
    %run_scoped3A_13 = arith.constant 1 : i32
    "tpu.region"() ({
      %run_scoped3A_165 = tpu.sem_alloc : memref<!tpu.dma_semaphore, #tpu.memory_space<semaphore_mem>>
      %dma_start3A_166 = arith.constant 0 : i32
      %dma_start3A_167 = arith.constant 0 : i32
      %dma_start3A_168 = tpu.memref_slice %arg6[%run_scoped3A_12, %run_scoped3A_13, %dma_start3A_166, %dma_start3A_167] : memref<2x2x2x128xi32, #tpu.memory_space<vmem>> -> memref<1x1x2x128xi32, #tpu.memory_space<vmem>>
      %dma_start3A_169 = tpu.memref_squeeze %dma_start3A_168 : memref<1x1x2x128xi32, #tpu.memory_space<vmem>> -> memref<2x128xi32, #tpu.memory_space<vmem>>
      %dma_start3A_170 = arith.constant 0 : i32
      %dma_start3A_171 = tpu.memref_slice %arg3[%dma_start3A_170, %add3A_11] : memref<2x320000xi32, #tpu.memory_space<hbm>> -> memref<2x128xi32, #tpu.memory_space<hbm>>
      %dma_start3A_172 = arith.constant 0 : i32
      %dma_start3A_173 = arith.constant 0 : i32
      %dma_start3A_174 = tpu.memref_slice %arg6[%run_scoped3A_12, %run_scoped3A_13, %dma_start3A_172, %dma_start3A_173] : memref<2x2x2x128xi32, #tpu.memory_space<vmem>> -> memref<1x1x2x128xi32, #tpu.memory_space<vmem>>
      %dma_start3A_175 = tpu.memref_squeeze %dma_start3A_174 : memref<1x1x2x128xi32, #tpu.memory_space<vmem>> -> memref<2x128xi32, #tpu.memory_space<vmem>>
      %dma_start3A_176 = arith.constant 0 : i32
      %dma_start3A_177 = tpu.memref_slice %arg3[%dma_start3A_176, %add3A_11] : memref<2x320000xi32, #tpu.memory_space<hbm>> -> memref<2x128xi32, #tpu.memory_space<hbm>>
      tpu.enqueue_dma source(%dma_start3A_177 : memref<2x128xi32, #tpu.memory_space<hbm>>) target(%dma_start3A_175 : memref<2x128xi32, #tpu.memory_space<vmem>>) target_semaphore(%run_scoped3A_165 : memref<!tpu.dma_semaphore, #tpu.memory_space<semaphore_mem>>)
      %dma_wait3A_178 = arith.constant 0 : i32
      %dma_wait3A_179 = arith.constant 0 : i32
      %dma_wait3A_180 = tpu.memref_slice %arg6[%run_scoped3A_12, %run_scoped3A_13, %dma_wait3A_178, %dma_wait3A_179] : memref<2x2x2x128xi32, #tpu.memory_space<vmem>> -> memref<1x1x2x128xi32, #tpu.memory_space<vmem>>
      %dma_wait3A_181 = tpu.memref_squeeze %dma_wait3A_180 : memref<1x1x2x128xi32, #tpu.memory_space<vmem>> -> memref<2x128xi32, #tpu.memory_space<vmem>>
      %dma_wait3A_182 = arith.constant 0 : i32
      %dma_wait3A_183 = tpu.memref_slice %arg3[%dma_wait3A_182, %add3A_11] : memref<2x320000xi32, #tpu.memory_space<hbm>> -> memref<2x128xi32, #tpu.memory_space<hbm>>
      %dma_wait3A_184 = arith.constant 0 : i32
      %dma_wait3A_185 = arith.constant 0 : i32
      %dma_wait3A_186 = tpu.memref_slice %arg6[%run_scoped3A_12, %run_scoped3A_13, %dma_wait3A_184, %dma_wait3A_185] : memref<2x2x2x128xi32, #tpu.memory_space<vmem>> -> memref<1x1x2x128xi32, #tpu.memory_space<vmem>>
      %dma_wait3A_187 = tpu.memref_squeeze %dma_wait3A_186 : memref<1x1x2x128xi32, #tpu.memory_space<vmem>> -> memref<2x128xi32, #tpu.memory_space<vmem>>
      %dma_wait3A_188 = arith.constant 0 : i32
      %dma_wait3A_189 = tpu.memref_slice %arg3[%dma_wait3A_188, %add3A_11] : memref<2x320000xi32, #tpu.memory_space<hbm>> -> memref<2x128xi32, #tpu.memory_space<hbm>>
      tpu.wait_dma2 semaphore(%run_scoped3A_165 : memref<!tpu.dma_semaphore, #tpu.memory_space<semaphore_mem>>) src(%dma_wait3A_189 : memref<2x128xi32, #tpu.memory_space<hbm>>) dst(%dma_wait3A_187 : memref<2x128xi32, #tpu.memory_space<vmem>>)
      tpu.yield
    }) : () -> ()
    %add3A_14 = arith.constant 256 : i32
    %add3A_15 = arith.addi %mul3A_2, %add3A_14 : i32
    %add3A_16 = arith.constant 0 : i32
    %add3A_17 = arith.addi %add3A_15, %add3A_16 : i32
    %dma_start3A = arith.constant 1 : i32
    %dma_start3A_18 = arith.constant 0 : i32
    %dma_start3A_19 = arith.constant 0 : i32
    %dma_start3A_20 = arith.constant 0 : i32
    %dma_start3A_21 = tpu.memref_slice %arg6[%dma_start3A, %dma_start3A_18, %dma_start3A_19, %dma_start3A_20] : memref<2x2x2x128xi32, #tpu.memory_space<vmem>> -> memref<1x1x2x128xi32, #tpu.memory_space<vmem>>
    %dma_start3A_22 = tpu.memref_squeeze %dma_start3A_21 : memref<1x1x2x128xi32, #tpu.memory_space<vmem>> -> memref<2x128xi32, #tpu.memory_space<vmem>>
    %dma_start3A_23 = arith.constant 0 : i32
    %dma_start3A_24 = tpu.memref_slice %arg3[%dma_start3A_23, %add3A_17] : memref<2x320000xi32, #tpu.memory_space<hbm>> -> memref<2x128xi32, #tpu.memory_space<hbm>>
    %dma_start3A_25 = arith.constant 0 : i32
    %dma_start3A_26 = arith.constant 0 : i32
    %dma_start3A_27 = tpu.memref_slice %arg6[%dma_start3A, %dma_start3A_18, %dma_start3A_25, %dma_start3A_26] : memref<2x2x2x128xi32, #tpu.memory_space<vmem>> -> memref<1x1x2x128xi32, #tpu.memory_space<vmem>>
    %dma_start3A_28 = tpu.memref_squeeze %dma_start3A_27 : memref<1x1x2x128xi32, #tpu.memory_space<vmem>> -> memref<2x128xi32, #tpu.memory_space<vmem>>
    %dma_start3A_29 = arith.constant 0 : i32
    %dma_start3A_30 = tpu.memref_slice %arg3[%dma_start3A_29, %add3A_17] : memref<2x320000xi32, #tpu.memory_space<hbm>> -> memref<2x128xi32, #tpu.memory_space<hbm>>
    tpu.enqueue_dma source(%dma_start3A_30 : memref<2x128xi32, #tpu.memory_space<hbm>>) target(%dma_start3A_28 : memref<2x128xi32, #tpu.memory_space<vmem>>) target_semaphore(%arg14 : memref<!tpu.dma_semaphore, #tpu.memory_space<semaphore_mem>>)
    %add3A_31 = arith.constant 256 : i32
    %add3A_32 = arith.addi %mul3A_2, %add3A_31 : i32
    %add3A_33 = arith.constant 128 : i32
    %add3A_34 = arith.addi %add3A_32, %add3A_33 : i32
    %dma_start3A_35 = arith.constant 1 : i32
    %dma_start3A_36 = arith.constant 1 : i32
    %dma_start3A_37 = arith.constant 0 : i32
    %dma_start3A_38 = arith.constant 0 : i32
    %dma_start3A_39 = tpu.memref_slice %arg6[%dma_start3A_35, %dma_start3A_36, %dma_start3A_37, %dma_start3A_38] : memref<2x2x2x128xi32, #tpu.memory_space<vmem>> -> memref<1x1x2x128xi32, #tpu.memory_space<vmem>>
    %dma_start3A_40 = tpu.memref_squeeze %dma_start3A_39 : memref<1x1x2x128xi32, #tpu.memory_space<vmem>> -> memref<2x128xi32, #tpu.memory_space<vmem>>
    %dma_start3A_41 = arith.constant 0 : i32
    %dma_start3A_42 = tpu.memref_slice %arg3[%dma_start3A_41, %add3A_34] : memref<2x320000xi32, #tpu.memory_space<hbm>> -> memref<2x128xi32, #tpu.memory_space<hbm>>
    %dma_start3A_43 = arith.constant 0 : i32
    %dma_start3A_44 = arith.constant 0 : i32
    %dma_start3A_45 = tpu.memref_slice %arg6[%dma_start3A_35, %dma_start3A_36, %dma_start3A_43, %dma_start3A_44] : memref<2x2x2x128xi32, #tpu.memory_space<vmem>> -> memref<1x1x2x128xi32, #tpu.memory_space<vmem>>
    %dma_start3A_46 = tpu.memref_squeeze %dma_start3A_45 : memref<1x1x2x128xi32, #tpu.memory_space<vmem>> -> memref<2x128xi32, #tpu.memory_space<vmem>>
    %dma_start3A_47 = arith.constant 0 : i32
    %dma_start3A_48 = tpu.memref_slice %arg3[%dma_start3A_47, %add3A_34] : memref<2x320000xi32, #tpu.memory_space<hbm>> -> memref<2x128xi32, #tpu.memory_space<hbm>>
    tpu.enqueue_dma source(%dma_start3A_48 : memref<2x128xi32, #tpu.memory_space<hbm>>) target(%dma_start3A_46 : memref<2x128xi32, #tpu.memory_space<vmem>>) target_semaphore(%arg14 : memref<!tpu.dma_semaphore, #tpu.memory_space<semaphore_mem>>)
    %dma_start3A_49 = arith.constant 0 : i32
    %dma_start3A_50 = arith.constant 0 : i32
    %dma_start3A_51 = arith.constant 0 : i32
    %dma_start3A_52 = arith.constant 0 : i32
    %dma_start3A_53 = arith.constant 0 : i32
    %dma_start3A_54 = arith.constant 0 : i32
    %dma_start3A_55 = tpu.memref_slice %arg8[%dma_start3A_52, %dma_start3A_53, %dma_start3A_54] : memref<2x128x128xf32, #tpu.memory_space<vmem>> -> memref<1x128x128xf32, #tpu.memory_space<vmem>>
    %dma_start3A_56 = tpu.memref_squeeze %dma_start3A_55 : memref<1x128x128xf32, #tpu.memory_space<vmem>> -> memref<128x128xf32, #tpu.memory_space<vmem>>
    %dma_start3A_57 = arith.constant 0 : i32
    %dma_start3A_58 = tpu.memref_slice %arg6[%dma_start3A_49, %dma_start3A_50, %dma_start3A_51, %dma_start3A_57] : memref<2x2x2x128xi32, #tpu.memory_space<vmem>> -> memref<1x1x1x128xi32, #tpu.memory_space<vmem>>
    %dma_start3A_59 = tpu.memref_squeeze %dma_start3A_58 : memref<1x1x1x128xi32, #tpu.memory_space<vmem>> -> memref<128xi32, #tpu.memory_space<vmem>>
    %dma_start3A_60 = arith.constant 0 : i32
    %dma_start3A_61 = arith.constant 0 : i32
    %dma_start3A_62 = tpu.memref_slice %arg2[%dma_start3A_60, %dma_start3A_61] : memref<10000x128xf32, #tpu.memory_space<hbm>> -> memref<10000x128xf32, #tpu.memory_space<hbm>>
    tpu.enqueue_indirect_dma source(%dma_start3A_62 : memref<10000x128xf32, #tpu.memory_space<hbm>>) target(%dma_start3A_56 : memref<128x128xf32, #tpu.memory_space<vmem>>) offsets(%dma_start3A_59 : memref<128xi32, #tpu.memory_space<vmem>>) semaphore(%arg10 : memref<!tpu.dma_semaphore, #tpu.memory_space<semaphore_mem>>)
    %dma_start3A_63 = arith.constant 0 : i32
    %dma_start3A_64 = arith.constant 1 : i32
    %dma_start3A_65 = arith.constant 0 : i32
    %dma_start3A_66 = arith.constant 1 : i32
    %dma_start3A_67 = arith.constant 0 : i32
    %dma_start3A_68 = arith.constant 0 : i32
    %dma_start3A_69 = tpu.memref_slice %arg8[%dma_start3A_66, %dma_start3A_67, %dma_start3A_68] : memref<2x128x128xf32, #tpu.memory_space<vmem>> -> memref<1x128x128xf32, #tpu.memory_space<vmem>>
    %dma_start3A_70 = tpu.memref_squeeze %dma_start3A_69 : memref<1x128x128xf32, #tpu.memory_space<vmem>> -> memref<128x128xf32, #tpu.memory_space<vmem>>
    %dma_start3A_71 = arith.constant 0 : i32
    %dma_start3A_72 = tpu.memref_slice %arg6[%dma_start3A_63, %dma_start3A_64, %dma_start3A_65, %dma_start3A_71] : memref<2x2x2x128xi32, #tpu.memory_space<vmem>> -> memref<1x1x1x128xi32, #tpu.memory_space<vmem>>
    %dma_start3A_73 = tpu.memref_squeeze %dma_start3A_72 : memref<1x1x1x128xi32, #tpu.memory_space<vmem>> -> memref<128xi32, #tpu.memory_space<vmem>>
    %dma_start3A_74 = arith.constant 0 : i32
    %dma_start3A_75 = arith.constant 0 : i32
    %dma_start3A_76 = tpu.memref_slice %arg2[%dma_start3A_74, %dma_start3A_75] : memref<10000x128xf32, #tpu.memory_space<hbm>> -> memref<10000x128xf32, #tpu.memory_space<hbm>>
    tpu.enqueue_indirect_dma source(%dma_start3A_76 : memref<10000x128xf32, #tpu.memory_space<hbm>>) target(%dma_start3A_70 : memref<128x128xf32, #tpu.memory_space<vmem>>) offsets(%dma_start3A_73 : memref<128xi32, #tpu.memory_space<vmem>>) semaphore(%arg11 : memref<!tpu.dma_semaphore, #tpu.memory_space<semaphore_mem>>)
    %mul3A_77 = arith.constant 632 : i32
    %mul3A_78 = arith.muli %arg1, %mul3A_77 : i32
    "tpu.region"() ({
      %run_scoped3A_165 = tpu.sem_alloc : memref<!tpu.dma_semaphore, #tpu.memory_space<semaphore_mem>>
      %dma_start3A_166 = arith.constant 0 : i32
      %dma_start3A_167 = tpu.memref_slice %arg9[%mul3A_78, %dma_start3A_166] : memref<10112x128xf32, #tpu.memory_space<vmem_shared>> -> memref<632x128xf32, #tpu.memory_space<vmem_shared>>
      tpu.enqueue_dma source(%arg4 : memref<632x128xf32, #tpu.memory_space<hbm>>) target(%dma_start3A_167 : memref<632x128xf32, #tpu.memory_space<vmem_shared>>) target_semaphore(%run_scoped3A_165 : memref<!tpu.dma_semaphore, #tpu.memory_space<semaphore_mem>>)
      %dma_wait3A_168 = arith.constant 0 : i32
      %dma_wait3A_169 = tpu.memref_slice %arg9[%mul3A_78, %dma_wait3A_168] : memref<10112x128xf32, #tpu.memory_space<vmem_shared>> -> memref<632x128xf32, #tpu.memory_space<vmem_shared>>
      tpu.wait_dma2 semaphore(%run_scoped3A_165 : memref<!tpu.dma_semaphore, #tpu.memory_space<semaphore_mem>>) src(%arg4 : memref<632x128xf32, #tpu.memory_space<hbm>>) dst(%dma_wait3A_169 : memref<632x128xf32, #tpu.memory_space<vmem_shared>>)
      tpu.yield
    }) : () -> ()
    %barrier3A = arith.constant 0 : index
    tpu.barrier barrier_id(%barrier3A)
    %scan3A = arith.constant 0 : i32
    %scan3A_79 = arith.constant 0 : i32
    %scan3A_80 = arith.constant 38 : i32
    %scan3A_81 = arith.addi %scan3A_79, %scan3A_80 : i32
    %scan3A_82 = arith.constant 1 : i32
    scf.for %scan3A_165 = %scan3A_79 to %scan3A_81 step %scan3A_82  : i32 {
      %and3A = arith.constant 1 : i32
      %and3A_166 = arith.andi %scan3A_165, %and3A : i32
      %sub3A = arith.constant 1 : i32
      %sub3A_167 = arith.subi %sub3A, %and3A_166 : i32
      %mul3A_168 = arith.constant 256 : i32
      %mul3A_169 = arith.muli %scan3A_165, %mul3A_168 : i32
      %add3A_170 = arith.addi %mul3A_2, %mul3A_169 : i32
      %add3A_171 = arith.constant 0 : i32
      %add3A_172 = arith.addi %add3A_170, %add3A_171 : i32
      %dma_wait3A_173 = arith.constant 0 : i32
      %dma_wait3A_174 = arith.constant 0 : i32
      %dma_wait3A_175 = arith.constant 0 : i32
      %dma_wait3A_176 = tpu.memref_slice %arg6[%sub3A_167, %dma_wait3A_173, %dma_wait3A_174, %dma_wait3A_175] : memref<2x2x2x128xi32, #tpu.memory_space<vmem>> -> memref<1x1x2x128xi32, #tpu.memory_space<vmem>>
      %dma_wait3A_177 = tpu.memref_squeeze %dma_wait3A_176 : memref<1x1x2x128xi32, #tpu.memory_space<vmem>> -> memref<2x128xi32, #tpu.memory_space<vmem>>
      %dma_wait3A_178 = arith.constant 0 : i32
      %dma_wait3A_179 = tpu.memref_slice %arg3[%dma_wait3A_178, %add3A_172] : memref<2x320000xi32, #tpu.memory_space<hbm>> -> memref<2x128xi32, #tpu.memory_space<hbm>>
      %dma_wait3A_180 = arith.constant 0 : i32
      %dma_wait3A_181 = arith.constant 0 : i32
      %dma_wait3A_182 = tpu.memref_slice %arg6[%sub3A_167, %dma_wait3A_173, %dma_wait3A_180, %dma_wait3A_181] : memref<2x2x2x128xi32, #tpu.memory_space<vmem>> -> memref<1x1x2x128xi32, #tpu.memory_space<vmem>>
      %dma_wait3A_183 = tpu.memref_squeeze %dma_wait3A_182 : memref<1x1x2x128xi32, #tpu.memory_space<vmem>> -> memref<2x128xi32, #tpu.memory_space<vmem>>
      %dma_wait3A_184 = arith.constant 0 : i32
      %dma_wait3A_185 = tpu.memref_slice %arg3[%dma_wait3A_184, %add3A_172] : memref<2x320000xi32, #tpu.memory_space<hbm>> -> memref<2x128xi32, #tpu.memory_space<hbm>>
      tpu.wait_dma2 semaphore(%arg14 : memref<!tpu.dma_semaphore, #tpu.memory_space<semaphore_mem>>) src(%dma_wait3A_185 : memref<2x128xi32, #tpu.memory_space<hbm>>) dst(%dma_wait3A_183 : memref<2x128xi32, #tpu.memory_space<vmem>>)
      %mul3A_186 = arith.constant 256 : i32
      %mul3A_187 = arith.muli %scan3A_165, %mul3A_186 : i32
      %add3A_188 = arith.addi %mul3A_2, %mul3A_187 : i32
      %add3A_189 = arith.constant 128 : i32
      %add3A_190 = arith.addi %add3A_188, %add3A_189 : i32
      %dma_wait3A_191 = arith.constant 1 : i32
      %dma_wait3A_192 = arith.constant 0 : i32
      %dma_wait3A_193 = arith.constant 0 : i32
      %dma_wait3A_194 = tpu.memref_slice %arg6[%sub3A_167, %dma_wait3A_191, %dma_wait3A_192, %dma_wait3A_193] : memref<2x2x2x128xi32, #tpu.memory_space<vmem>> -> memref<1x1x2x128xi32, #tpu.memory_space<vmem>>
      %dma_wait3A_195 = tpu.memref_squeeze %dma_wait3A_194 : memref<1x1x2x128xi32, #tpu.memory_space<vmem>> -> memref<2x128xi32, #tpu.memory_space<vmem>>
      %dma_wait3A_196 = arith.constant 0 : i32
      %dma_wait3A_197 = tpu.memref_slice %arg3[%dma_wait3A_196, %add3A_190] : memref<2x320000xi32, #tpu.memory_space<hbm>> -> memref<2x128xi32, #tpu.memory_space<hbm>>
      %dma_wait3A_198 = arith.constant 0 : i32
      %dma_wait3A_199 = arith.constant 0 : i32
      %dma_wait3A_200 = tpu.memref_slice %arg6[%sub3A_167, %dma_wait3A_191, %dma_wait3A_198, %dma_wait3A_199] : memref<2x2x2x128xi32, #tpu.memory_space<vmem>> -> memref<1x1x2x128xi32, #tpu.memory_space<vmem>>
      %dma_wait3A_201 = tpu.memref_squeeze %dma_wait3A_200 : memref<1x1x2x128xi32, #tpu.memory_space<vmem>> -> memref<2x128xi32, #tpu.memory_space<vmem>>
      %dma_wait3A_202 = arith.constant 0 : i32
      %dma_wait3A_203 = tpu.memref_slice %arg3[%dma_wait3A_202, %add3A_190] : memref<2x320000xi32, #tpu.memory_space<hbm>> -> memref<2x128xi32, #tpu.memory_space<hbm>>
      tpu.wait_dma2 semaphore(%arg14 : memref<!tpu.dma_semaphore, #tpu.memory_space<semaphore_mem>>) src(%dma_wait3A_203 : memref<2x128xi32, #tpu.memory_space<hbm>>) dst(%dma_wait3A_201 : memref<2x128xi32, #tpu.memory_space<vmem>>)
      %dma_wait3A_204 = arith.constant 0 : i32
      %dma_wait3A_205 = arith.constant 0 : i32
      %dma_wait3A_206 = arith.constant 0 : i32
      %dma_wait3A_207 = arith.constant 0 : i32
      %dma_wait3A_208 = arith.constant 0 : i32
      %dma_wait3A_209 = tpu.memref_slice %arg8[%dma_wait3A_206, %dma_wait3A_207, %dma_wait3A_208] : memref<2x128x128xf32, #tpu.memory_space<vmem>> -> memref<1x128x128xf32, #tpu.memory_space<vmem>>
      %dma_wait3A_210 = tpu.memref_squeeze %dma_wait3A_209 : memref<1x128x128xf32, #tpu.memory_space<vmem>> -> memref<128x128xf32, #tpu.memory_space<vmem>>
      %dma_wait3A_211 = arith.constant 0 : i32
      %dma_wait3A_212 = tpu.memref_slice %arg6[%and3A_166, %dma_wait3A_204, %dma_wait3A_205, %dma_wait3A_211] : memref<2x2x2x128xi32, #tpu.memory_space<vmem>> -> memref<1x1x1x128xi32, #tpu.memory_space<vmem>>
      %dma_wait3A_213 = tpu.memref_squeeze %dma_wait3A_212 : memref<1x1x1x128xi32, #tpu.memory_space<vmem>> -> memref<128xi32, #tpu.memory_space<vmem>>
      %dma_wait3A_214 = arith.constant 0 : i32
      %dma_wait3A_215 = arith.constant 0 : i32
      %dma_wait3A_216 = tpu.memref_slice %arg2[%dma_wait3A_214, %dma_wait3A_215] : memref<10000x128xf32, #tpu.memory_space<hbm>> -> memref<10000x128xf32, #tpu.memory_space<hbm>>
      tpu.wait_indirect_dma semaphore(%arg10 : memref<!tpu.dma_semaphore, #tpu.memory_space<semaphore_mem>>) src(%dma_wait3A_216 : memref<10000x128xf32, #tpu.memory_space<hbm>>) dst(%dma_wait3A_210 : memref<128x128xf32, #tpu.memory_space<vmem>>)
      %dma_start3A_217 = arith.constant 0 : i32
      %dma_start3A_218 = arith.constant 0 : i32
      %dma_start3A_219 = arith.constant 1 : i32
      %dma_start3A_220 = arith.constant 0 : i32
      %dma_start3A_221 = arith.constant 0 : i32
      %dma_start3A_222 = tpu.memref_slice %arg8[%dma_start3A_217, %dma_start3A_220, %dma_start3A_221] : memref<2x128x128xf32, #tpu.memory_space<vmem>> -> memref<1x128x128xf32, #tpu.memory_space<vmem>>
      %dma_start3A_223 = tpu.memref_squeeze %dma_start3A_222 : memref<1x128x128xf32, #tpu.memory_space<vmem>> -> memref<128x128xf32, #tpu.memory_space<vmem>>
      %dma_start3A_224 = arith.constant 0 : i32
      %dma_start3A_225 = tpu.memref_slice %arg6[%and3A_166, %dma_start3A_218, %dma_start3A_219, %dma_start3A_224] : memref<2x2x2x128xi32, #tpu.memory_space<vmem>> -> memref<1x1x1x128xi32, #tpu.memory_space<vmem>>
      %dma_start3A_226 = tpu.memref_squeeze %dma_start3A_225 : memref<1x1x1x128xi32, #tpu.memory_space<vmem>> -> memref<128xi32, #tpu.memory_space<vmem>>
      %dma_start3A_227 = arith.constant 0 : i32
      %dma_start3A_228 = arith.constant 0 : i32
      %dma_start3A_229 = tpu.memref_slice %arg9[%dma_start3A_227, %dma_start3A_228] : memref<10112x128xf32, #tpu.memory_space<vmem_shared>> -> memref<10112x128xf32, #tpu.memory_space<vmem_shared>>
      tpu.enqueue_indirect_dma source(%dma_start3A_223 : memref<128x128xf32, #tpu.memory_space<vmem>>) target(%dma_start3A_229 : memref<10112x128xf32, #tpu.memory_space<vmem_shared>>) offsets(%dma_start3A_226 : memref<128xi32, #tpu.memory_space<vmem>>) semaphore(%arg12 : memref<!tpu.dma_semaphore, #tpu.memory_space<semaphore_mem>>) {add = true}
      %dma_wait3A_230 = arith.constant 0 : i32
      %dma_wait3A_231 = arith.constant 0 : i32
      %dma_wait3A_232 = arith.constant 1 : i32
      %dma_wait3A_233 = arith.constant 0 : i32
      %dma_wait3A_234 = arith.constant 0 : i32
      %dma_wait3A_235 = tpu.memref_slice %arg8[%dma_wait3A_230, %dma_wait3A_233, %dma_wait3A_234] : memref<2x128x128xf32, #tpu.memory_space<vmem>> -> memref<1x128x128xf32, #tpu.memory_space<vmem>>
      %dma_wait3A_236 = tpu.memref_squeeze %dma_wait3A_235 : memref<1x128x128xf32, #tpu.memory_space<vmem>> -> memref<128x128xf32, #tpu.memory_space<vmem>>
      %dma_wait3A_237 = arith.constant 0 : i32
      %dma_wait3A_238 = tpu.memref_slice %arg6[%and3A_166, %dma_wait3A_231, %dma_wait3A_232, %dma_wait3A_237] : memref<2x2x2x128xi32, #tpu.memory_space<vmem>> -> memref<1x1x1x128xi32, #tpu.memory_space<vmem>>
      %dma_wait3A_239 = tpu.memref_squeeze %dma_wait3A_238 : memref<1x1x1x128xi32, #tpu.memory_space<vmem>> -> memref<128xi32, #tpu.memory_space<vmem>>
      %dma_wait3A_240 = arith.constant 0 : i32
      %dma_wait3A_241 = arith.constant 0 : i32
      %dma_wait3A_242 = tpu.memref_slice %arg9[%dma_wait3A_240, %dma_wait3A_241] : memref<10112x128xf32, #tpu.memory_space<vmem_shared>> -> memref<10112x128xf32, #tpu.memory_space<vmem_shared>>
      tpu.wait_indirect_dma semaphore(%arg12 : memref<!tpu.dma_semaphore, #tpu.memory_space<semaphore_mem>>) src(%dma_wait3A_236 : memref<128x128xf32, #tpu.memory_space<vmem>>) dst(%dma_wait3A_242 : memref<10112x128xf32, #tpu.memory_space<vmem_shared>>)
      %dma_start3A_243 = arith.constant 0 : i32
      %dma_start3A_244 = arith.constant 0 : i32
      %dma_start3A_245 = arith.constant 0 : i32
      %dma_start3A_246 = arith.constant 0 : i32
      %dma_start3A_247 = arith.constant 0 : i32
      %dma_start3A_248 = tpu.memref_slice %arg8[%dma_start3A_245, %dma_start3A_246, %dma_start3A_247] : memref<2x128x128xf32, #tpu.memory_space<vmem>> -> memref<1x128x128xf32, #tpu.memory_space<vmem>>
      %dma_start3A_249 = tpu.memref_squeeze %dma_start3A_248 : memref<1x128x128xf32, #tpu.memory_space<vmem>> -> memref<128x128xf32, #tpu.memory_space<vmem>>
      %dma_start3A_250 = arith.constant 0 : i32
      %dma_start3A_251 = tpu.memref_slice %arg6[%sub3A_167, %dma_start3A_243, %dma_start3A_244, %dma_start3A_250] : memref<2x2x2x128xi32, #tpu.memory_space<vmem>> -> memref<1x1x1x128xi32, #tpu.memory_space<vmem>>
      %dma_start3A_252 = tpu.memref_squeeze %dma_start3A_251 : memref<1x1x1x128xi32, #tpu.memory_space<vmem>> -> memref<128xi32, #tpu.memory_space<vmem>>
      %dma_start3A_253 = arith.constant 0 : i32
      %dma_start3A_254 = arith.constant 0 : i32
      %dma_start3A_255 = tpu.memref_slice %arg2[%dma_start3A_253, %dma_start3A_254] : memref<10000x128xf32, #tpu.memory_space<hbm>> -> memref<10000x128xf32, #tpu.memory_space<hbm>>
      tpu.enqueue_indirect_dma source(%dma_start3A_255 : memref<10000x128xf32, #tpu.memory_space<hbm>>) target(%dma_start3A_249 : memref<128x128xf32, #tpu.memory_space<vmem>>) offsets(%dma_start3A_252 : memref<128xi32, #tpu.memory_space<vmem>>) semaphore(%arg10 : memref<!tpu.dma_semaphore, #tpu.memory_space<semaphore_mem>>)
      %dma_wait3A_256 = arith.constant 1 : i32
      %dma_wait3A_257 = arith.constant 0 : i32
      %dma_wait3A_258 = arith.constant 1 : i32
      %dma_wait3A_259 = arith.constant 0 : i32
      %dma_wait3A_260 = arith.constant 0 : i32
      %dma_wait3A_261 = tpu.memref_slice %arg8[%dma_wait3A_258, %dma_wait3A_259, %dma_wait3A_260] : memref<2x128x128xf32, #tpu.memory_space<vmem>> -> memref<1x128x128xf32, #tpu.memory_space<vmem>>
      %dma_wait3A_262 = tpu.memref_squeeze %dma_wait3A_261 : memref<1x128x128xf32, #tpu.memory_space<vmem>> -> memref<128x128xf32, #tpu.memory_space<vmem>>
      %dma_wait3A_263 = arith.constant 0 : i32
      %dma_wait3A_264 = tpu.memref_slice %arg6[%and3A_166, %dma_wait3A_256, %dma_wait3A_257, %dma_wait3A_263] : memref<2x2x2x128xi32, #tpu.memory_space<vmem>> -> memref<1x1x1x128xi32, #tpu.memory_space<vmem>>
      %dma_wait3A_265 = tpu.memref_squeeze %dma_wait3A_264 : memref<1x1x1x128xi32, #tpu.memory_space<vmem>> -> memref<128xi32, #tpu.memory_space<vmem>>
      %dma_wait3A_266 = arith.constant 0 : i32
      %dma_wait3A_267 = arith.constant 0 : i32
      %dma_wait3A_268 = tpu.memref_slice %arg2[%dma_wait3A_266, %dma_wait3A_267] : memref<10000x128xf32, #tpu.memory_space<hbm>> -> memref<10000x128xf32, #tpu.memory_space<hbm>>
      tpu.wait_indirect_dma semaphore(%arg11 : memref<!tpu.dma_semaphore, #tpu.memory_space<semaphore_mem>>) src(%dma_wait3A_268 : memref<10000x128xf32, #tpu.memory_space<hbm>>) dst(%dma_wait3A_262 : memref<128x128xf32, #tpu.memory_space<vmem>>)
      %dma_start3A_269 = arith.constant 1 : i32
      %dma_start3A_270 = arith.constant 1 : i32
      %dma_start3A_271 = arith.constant 1 : i32
      %dma_start3A_272 = arith.constant 0 : i32
      %dma_start3A_273 = arith.constant 0 : i32
      %dma_start3A_274 = tpu.memref_slice %arg8[%dma_start3A_269, %dma_start3A_272, %dma_start3A_273] : memref<2x128x128xf32, #tpu.memory_space<vmem>> -> memref<1x128x128xf32, #tpu.memory_space<vmem>>
      %dma_start3A_275 = tpu.memref_squeeze %dma_start3A_274 : memref<1x128x128xf32, #tpu.memory_space<vmem>> -> memref<128x128xf32, #tpu.memory_space<vmem>>
      %dma_start3A_276 = arith.constant 0 : i32
      %dma_start3A_277 = tpu.memref_slice %arg6[%and3A_166, %dma_start3A_270, %dma_start3A_271, %dma_start3A_276] : memref<2x2x2x128xi32, #tpu.memory_space<vmem>> -> memref<1x1x1x128xi32, #tpu.memory_space<vmem>>
      %dma_start3A_278 = tpu.memref_squeeze %dma_start3A_277 : memref<1x1x1x128xi32, #tpu.memory_space<vmem>> -> memref<128xi32, #tpu.memory_space<vmem>>
      %dma_start3A_279 = arith.constant 0 : i32
      %dma_start3A_280 = arith.constant 0 : i32
      %dma_start3A_281 = tpu.memref_slice %arg9[%dma_start3A_279, %dma_start3A_280] : memref<10112x128xf32, #tpu.memory_space<vmem_shared>> -> memref<10112x128xf32, #tpu.memory_space<vmem_shared>>
      tpu.enqueue_indirect_dma source(%dma_start3A_275 : memref<128x128xf32, #tpu.memory_space<vmem>>) target(%dma_start3A_281 : memref<10112x128xf32, #tpu.memory_space<vmem_shared>>) offsets(%dma_start3A_278 : memref<128xi32, #tpu.memory_space<vmem>>) semaphore(%arg13 : memref<!tpu.dma_semaphore, #tpu.memory_space<semaphore_mem>>) {add = true}
      %dma_wait3A_282 = arith.constant 1 : i32
      %dma_wait3A_283 = arith.constant 1 : i32
      %dma_wait3A_284 = arith.constant 1 : i32
      %dma_wait3A_285 = arith.constant 0 : i32
      %dma_wait3A_286 = arith.constant 0 : i32
      %dma_wait3A_287 = tpu.memref_slice %arg8[%dma_wait3A_282, %dma_wait3A_285, %dma_wait3A_286] : memref<2x128x128xf32, #tpu.memory_space<vmem>> -> memref<1x128x128xf32, #tpu.memory_space<vmem>>
      %dma_wait3A_288 = tpu.memref_squeeze %dma_wait3A_287 : memref<1x128x128xf32, #tpu.memory_space<vmem>> -> memref<128x128xf32, #tpu.memory_space<vmem>>
      %dma_wait3A_289 = arith.constant 0 : i32
      %dma_wait3A_290 = tpu.memref_slice %arg6[%and3A_166, %dma_wait3A_283, %dma_wait3A_284, %dma_wait3A_289] : memref<2x2x2x128xi32, #tpu.memory_space<vmem>> -> memref<1x1x1x128xi32, #tpu.memory_space<vmem>>
      %dma_wait3A_291 = tpu.memref_squeeze %dma_wait3A_290 : memref<1x1x1x128xi32, #tpu.memory_space<vmem>> -> memref<128xi32, #tpu.memory_space<vmem>>
      %dma_wait3A_292 = arith.constant 0 : i32
      %dma_wait3A_293 = arith.constant 0 : i32
      %dma_wait3A_294 = tpu.memref_slice %arg9[%dma_wait3A_292, %dma_wait3A_293] : memref<10112x128xf32, #tpu.memory_space<vmem_shared>> -> memref<10112x128xf32, #tpu.memory_space<vmem_shared>>
      tpu.wait_indirect_dma semaphore(%arg13 : memref<!tpu.dma_semaphore, #tpu.memory_space<semaphore_mem>>) src(%dma_wait3A_288 : memref<128x128xf32, #tpu.memory_space<vmem>>) dst(%dma_wait3A_294 : memref<10112x128xf32, #tpu.memory_space<vmem_shared>>)
      %dma_start3A_295 = arith.constant 1 : i32
      %dma_start3A_296 = arith.constant 0 : i32
      %dma_start3A_297 = arith.constant 1 : i32
      %dma_start3A_298 = arith.constant 0 : i32
      %dma_start3A_299 = arith.constant 0 : i32
      %dma_start3A_300 = tpu.memref_slice %arg8[%dma_start3A_297, %dma_start3A_298, %dma_start3A_299] : memref<2x128x128xf32, #tpu.memory_space<vmem>> -> memref<1x128x128xf32, #tpu.memory_space<vmem>>
      %dma_start3A_301 = tpu.memref_squeeze %dma_start3A_300 : memref<1x128x128xf32, #tpu.memory_space<vmem>> -> memref<128x128xf32, #tpu.memory_space<vmem>>
      %dma_start3A_302 = arith.constant 0 : i32
      %dma_start3A_303 = tpu.memref_slice %arg6[%sub3A_167, %dma_start3A_295, %dma_start3A_296, %dma_start3A_302] : memref<2x2x2x128xi32, #tpu.memory_space<vmem>> -> memref<1x1x1x128xi32, #tpu.memory_space<vmem>>
      %dma_start3A_304 = tpu.memref_squeeze %dma_start3A_303 : memref<1x1x1x128xi32, #tpu.memory_space<vmem>> -> memref<128xi32, #tpu.memory_space<vmem>>
      %dma_start3A_305 = arith.constant 0 : i32
      %dma_start3A_306 = arith.constant 0 : i32
      %dma_start3A_307 = tpu.memref_slice %arg2[%dma_start3A_305, %dma_start3A_306] : memref<10000x128xf32, #tpu.memory_space<hbm>> -> memref<10000x128xf32, #tpu.memory_space<hbm>>
      tpu.enqueue_indirect_dma source(%dma_start3A_307 : memref<10000x128xf32, #tpu.memory_space<hbm>>) target(%dma_start3A_301 : memref<128x128xf32, #tpu.memory_space<vmem>>) offsets(%dma_start3A_304 : memref<128xi32, #tpu.memory_space<vmem>>) semaphore(%arg11 : memref<!tpu.dma_semaphore, #tpu.memory_space<semaphore_mem>>)
      %add3A_308 = arith.constant 2 : i32
      %add3A_309 = arith.addi %scan3A_165, %add3A_308 : i32
      %min3A = arith.constant 38 : i32
      %min3A_310 = arith.minsi %add3A_309, %min3A : i32
      %mul3A_311 = arith.constant 256 : i32
      %mul3A_312 = arith.muli %min3A_310, %mul3A_311 : i32
      %add3A_313 = arith.addi %mul3A_2, %mul3A_312 : i32
      %add3A_314 = arith.constant 0 : i32
      %add3A_315 = arith.addi %add3A_313, %add3A_314 : i32
      %dma_start3A_316 = arith.constant 0 : i32
      %dma_start3A_317 = arith.constant 0 : i32
      %dma_start3A_318 = arith.constant 0 : i32
      %dma_start3A_319 = tpu.memref_slice %arg6[%and3A_166, %dma_start3A_316, %dma_start3A_317, %dma_start3A_318] : memref<2x2x2x128xi32, #tpu.memory_space<vmem>> -> memref<1x1x2x128xi32, #tpu.memory_space<vmem>>
      %dma_start3A_320 = tpu.memref_squeeze %dma_start3A_319 : memref<1x1x2x128xi32, #tpu.memory_space<vmem>> -> memref<2x128xi32, #tpu.memory_space<vmem>>
      %dma_start3A_321 = arith.constant 0 : i32
      %dma_start3A_322 = tpu.memref_slice %arg3[%dma_start3A_321, %add3A_315] : memref<2x320000xi32, #tpu.memory_space<hbm>> -> memref<2x128xi32, #tpu.memory_space<hbm>>
      %dma_start3A_323 = arith.constant 0 : i32
      %dma_start3A_324 = arith.constant 0 : i32
      %dma_start3A_325 = tpu.memref_slice %arg6[%and3A_166, %dma_start3A_316, %dma_start3A_323, %dma_start3A_324] : memref<2x2x2x128xi32, #tpu.memory_space<vmem>> -> memref<1x1x2x128xi32, #tpu.memory_space<vmem>>
      %dma_start3A_326 = tpu.memref_squeeze %dma_start3A_325 : memref<1x1x2x128xi32, #tpu.memory_space<vmem>> -> memref<2x128xi32, #tpu.memory_space<vmem>>
      %dma_start3A_327 = arith.constant 0 : i32
      %dma_start3A_328 = tpu.memref_slice %arg3[%dma_start3A_327, %add3A_315] : memref<2x320000xi32, #tpu.memory_space<hbm>> -> memref<2x128xi32, #tpu.memory_space<hbm>>
      tpu.enqueue_dma source(%dma_start3A_328 : memref<2x128xi32, #tpu.memory_space<hbm>>) target(%dma_start3A_326 : memref<2x128xi32, #tpu.memory_space<vmem>>) target_semaphore(%arg14 : memref<!tpu.dma_semaphore, #tpu.memory_space<semaphore_mem>>)
      %mul3A_329 = arith.constant 256 : i32
      %mul3A_330 = arith.muli %min3A_310, %mul3A_329 : i32
      %add3A_331 = arith.addi %mul3A_2, %mul3A_330 : i32
      %add3A_332 = arith.constant 128 : i32
      %add3A_333 = arith.addi %add3A_331, %add3A_332 : i32
      %dma_start3A_334 = arith.constant 1 : i32
      %dma_start3A_335 = arith.constant 0 : i32
      %dma_start3A_336 = arith.constant 0 : i32
      %dma_start3A_337 = tpu.memref_slice %arg6[%and3A_166, %dma_start3A_334, %dma_start3A_335, %dma_start3A_336] : memref<2x2x2x128xi32, #tpu.memory_space<vmem>> -> memref<1x1x2x128xi32, #tpu.memory_space<vmem>>
      %dma_start3A_338 = tpu.memref_squeeze %dma_start3A_337 : memref<1x1x2x128xi32, #tpu.memory_space<vmem>> -> memref<2x128xi32, #tpu.memory_space<vmem>>
      %dma_start3A_339 = arith.constant 0 : i32
      %dma_start3A_340 = tpu.memref_slice %arg3[%dma_start3A_339, %add3A_333] : memref<2x320000xi32, #tpu.memory_space<hbm>> -> memref<2x128xi32, #tpu.memory_space<hbm>>
      %dma_start3A_341 = arith.constant 0 : i32
      %dma_start3A_342 = arith.constant 0 : i32
      %dma_start3A_343 = tpu.memref_slice %arg6[%and3A_166, %dma_start3A_334, %dma_start3A_341, %dma_start3A_342] : memref<2x2x2x128xi32, #tpu.memory_space<vmem>> -> memref<1x1x2x128xi32, #tpu.memory_space<vmem>>
      %dma_start3A_344 = tpu.memref_squeeze %dma_start3A_343 : memref<1x1x2x128xi32, #tpu.memory_space<vmem>> -> memref<2x128xi32, #tpu.memory_space<vmem>>
      %dma_start3A_345 = arith.constant 0 : i32
      %dma_start3A_346 = tpu.memref_slice %arg3[%dma_start3A_345, %add3A_333] : memref<2x320000xi32, #tpu.memory_space<hbm>> -> memref<2x128xi32, #tpu.memory_space<hbm>>
      tpu.enqueue_dma source(%dma_start3A_346 : memref<2x128xi32, #tpu.memory_space<hbm>>) target(%dma_start3A_344 : memref<2x128xi32, #tpu.memory_space<vmem>>) target_semaphore(%arg14 : memref<!tpu.dma_semaphore, #tpu.memory_space<semaphore_mem>>)
    }
    %scan3A_83 = arith.constant 38 : i32
    %add3A_84 = arith.constant 0 : i32
    %add3A_85 = arith.addi %mul3A_2, %add3A_84 : i32
    %add3A_86 = arith.constant 0 : i32
    %add3A_87 = arith.addi %add3A_85, %add3A_86 : i32
    %dma_wait3A = arith.constant 1 : i32
    %dma_wait3A_88 = arith.constant 0 : i32
    %dma_wait3A_89 = arith.constant 0 : i32
    %dma_wait3A_90 = arith.constant 0 : i32
    %dma_wait3A_91 = tpu.memref_slice %arg6[%dma_wait3A, %dma_wait3A_88, %dma_wait3A_89, %dma_wait3A_90] : memref<2x2x2x128xi32, #tpu.memory_space<vmem>> -> memref<1x1x2x128xi32, #tpu.memory_space<vmem>>
    %dma_wait3A_92 = tpu.memref_squeeze %dma_wait3A_91 : memref<1x1x2x128xi32, #tpu.memory_space<vmem>> -> memref<2x128xi32, #tpu.memory_space<vmem>>
    %dma_wait3A_93 = arith.constant 0 : i32
    %dma_wait3A_94 = tpu.memref_slice %arg3[%dma_wait3A_93, %add3A_87] : memref<2x320000xi32, #tpu.memory_space<hbm>> -> memref<2x128xi32, #tpu.memory_space<hbm>>
    %dma_wait3A_95 = arith.constant 0 : i32
    %dma_wait3A_96 = arith.constant 0 : i32
    %dma_wait3A_97 = tpu.memref_slice %arg6[%dma_wait3A, %dma_wait3A_88, %dma_wait3A_95, %dma_wait3A_96] : memref<2x2x2x128xi32, #tpu.memory_space<vmem>> -> memref<1x1x2x128xi32, #tpu.memory_space<vmem>>
    %dma_wait3A_98 = tpu.memref_squeeze %dma_wait3A_97 : memref<1x1x2x128xi32, #tpu.memory_space<vmem>> -> memref<2x128xi32, #tpu.memory_space<vmem>>
    %dma_wait3A_99 = arith.constant 0 : i32
    %dma_wait3A_100 = tpu.memref_slice %arg3[%dma_wait3A_99, %add3A_87] : memref<2x320000xi32, #tpu.memory_space<hbm>> -> memref<2x128xi32, #tpu.memory_space<hbm>>
    tpu.wait_dma2 semaphore(%arg14 : memref<!tpu.dma_semaphore, #tpu.memory_space<semaphore_mem>>) src(%dma_wait3A_100 : memref<2x128xi32, #tpu.memory_space<hbm>>) dst(%dma_wait3A_98 : memref<2x128xi32, #tpu.memory_space<vmem>>)
    %add3A_101 = arith.constant 0 : i32
    %add3A_102 = arith.addi %mul3A_2, %add3A_101 : i32
    %add3A_103 = arith.constant 128 : i32
    %add3A_104 = arith.addi %add3A_102, %add3A_103 : i32
    %dma_wait3A_105 = arith.constant 1 : i32
    %dma_wait3A_106 = arith.constant 1 : i32
    %dma_wait3A_107 = arith.constant 0 : i32
    %dma_wait3A_108 = arith.constant 0 : i32
    %dma_wait3A_109 = tpu.memref_slice %arg6[%dma_wait3A_105, %dma_wait3A_106, %dma_wait3A_107, %dma_wait3A_108] : memref<2x2x2x128xi32, #tpu.memory_space<vmem>> -> memref<1x1x2x128xi32, #tpu.memory_space<vmem>>
    %dma_wait3A_110 = tpu.memref_squeeze %dma_wait3A_109 : memref<1x1x2x128xi32, #tpu.memory_space<vmem>> -> memref<2x128xi32, #tpu.memory_space<vmem>>
    %dma_wait3A_111 = arith.constant 0 : i32
    %dma_wait3A_112 = tpu.memref_slice %arg3[%dma_wait3A_111, %add3A_104] : memref<2x320000xi32, #tpu.memory_space<hbm>> -> memref<2x128xi32, #tpu.memory_space<hbm>>
    %dma_wait3A_113 = arith.constant 0 : i32
    %dma_wait3A_114 = arith.constant 0 : i32
    %dma_wait3A_115 = tpu.memref_slice %arg6[%dma_wait3A_105, %dma_wait3A_106, %dma_wait3A_113, %dma_wait3A_114] : memref<2x2x2x128xi32, #tpu.memory_space<vmem>> -> memref<1x1x2x128xi32, #tpu.memory_space<vmem>>
    %dma_wait3A_116 = tpu.memref_squeeze %dma_wait3A_115 : memref<1x1x2x128xi32, #tpu.memory_space<vmem>> -> memref<2x128xi32, #tpu.memory_space<vmem>>
    %dma_wait3A_117 = arith.constant 0 : i32
    %dma_wait3A_118 = tpu.memref_slice %arg3[%dma_wait3A_117, %add3A_104] : memref<2x320000xi32, #tpu.memory_space<hbm>> -> memref<2x128xi32, #tpu.memory_space<hbm>>
    tpu.wait_dma2 semaphore(%arg14 : memref<!tpu.dma_semaphore, #tpu.memory_space<semaphore_mem>>) src(%dma_wait3A_118 : memref<2x128xi32, #tpu.memory_space<hbm>>) dst(%dma_wait3A_116 : memref<2x128xi32, #tpu.memory_space<vmem>>)
    %dma_wait3A_119 = arith.constant 0 : i32
    %dma_wait3A_120 = arith.constant 0 : i32
    %dma_wait3A_121 = arith.constant 0 : i32
    %dma_wait3A_122 = arith.constant 0 : i32
    %dma_wait3A_123 = arith.constant 0 : i32
    %dma_wait3A_124 = arith.constant 0 : i32
    %dma_wait3A_125 = tpu.memref_slice %arg8[%dma_wait3A_122, %dma_wait3A_123, %dma_wait3A_124] : memref<2x128x128xf32, #tpu.memory_space<vmem>> -> memref<1x128x128xf32, #tpu.memory_space<vmem>>
    %dma_wait3A_126 = tpu.memref_squeeze %dma_wait3A_125 : memref<1x128x128xf32, #tpu.memory_space<vmem>> -> memref<128x128xf32, #tpu.memory_space<vmem>>
    %dma_wait3A_127 = arith.constant 0 : i32
    %dma_wait3A_128 = tpu.memref_slice %arg6[%dma_wait3A_119, %dma_wait3A_120, %dma_wait3A_121, %dma_wait3A_127] : memref<2x2x2x128xi32, #tpu.memory_space<vmem>> -> memref<1x1x1x128xi32, #tpu.memory_space<vmem>>
    %dma_wait3A_129 = tpu.memref_squeeze %dma_wait3A_128 : memref<1x1x1x128xi32, #tpu.memory_space<vmem>> -> memref<128xi32, #tpu.memory_space<vmem>>
    %dma_wait3A_130 = arith.constant 0 : i32
    %dma_wait3A_131 = arith.constant 0 : i32
    %dma_wait3A_132 = tpu.memref_slice %arg2[%dma_wait3A_130, %dma_wait3A_131] : memref<10000x128xf32, #tpu.memory_space<hbm>> -> memref<10000x128xf32, #tpu.memory_space<hbm>>
    tpu.wait_indirect_dma semaphore(%arg10 : memref<!tpu.dma_semaphore, #tpu.memory_space<semaphore_mem>>) src(%dma_wait3A_132 : memref<10000x128xf32, #tpu.memory_space<hbm>>) dst(%dma_wait3A_126 : memref<128x128xf32, #tpu.memory_space<vmem>>)
    %run_scoped3A_133 = arith.constant 0 : i32
    %run_scoped3A_134 = arith.constant 0 : i32
    %run_scoped3A_135 = arith.constant 0 : i32
    %run_scoped3A_136 = arith.constant 1 : i32
    "tpu.region"() ({
      %run_scoped3A_165 = tpu.sem_alloc : memref<!tpu.dma_semaphore, #tpu.memory_space<semaphore_mem>>
      %dma_start3A_166 = arith.constant 0 : i32
      %dma_start3A_167 = arith.constant 0 : i32
      %dma_start3A_168 = tpu.memref_slice %arg8[%run_scoped3A_133, %dma_start3A_166, %dma_start3A_167] : memref<2x128x128xf32, #tpu.memory_space<vmem>> -> memref<1x128x128xf32, #tpu.memory_space<vmem>>
      %dma_start3A_169 = tpu.memref_squeeze %dma_start3A_168 : memref<1x128x128xf32, #tpu.memory_space<vmem>> -> memref<128x128xf32, #tpu.memory_space<vmem>>
      %dma_start3A_170 = arith.constant 0 : i32
      %dma_start3A_171 = tpu.memref_slice %arg6[%run_scoped3A_134, %run_scoped3A_135, %run_scoped3A_136, %dma_start3A_170] : memref<2x2x2x128xi32, #tpu.memory_space<vmem>> -> memref<1x1x1x128xi32, #tpu.memory_space<vmem>>
      %dma_start3A_172 = tpu.memref_squeeze %dma_start3A_171 : memref<1x1x1x128xi32, #tpu.memory_space<vmem>> -> memref<128xi32, #tpu.memory_space<vmem>>
      %dma_start3A_173 = arith.constant 0 : i32
      %dma_start3A_174 = arith.constant 0 : i32
      %dma_start3A_175 = tpu.memref_slice %arg9[%dma_start3A_173, %dma_start3A_174] : memref<10112x128xf32, #tpu.memory_space<vmem_shared>> -> memref<10112x128xf32, #tpu.memory_space<vmem_shared>>
      tpu.enqueue_indirect_dma source(%dma_start3A_169 : memref<128x128xf32, #tpu.memory_space<vmem>>) target(%dma_start3A_175 : memref<10112x128xf32, #tpu.memory_space<vmem_shared>>) offsets(%dma_start3A_172 : memref<128xi32, #tpu.memory_space<vmem>>) semaphore(%run_scoped3A_165 : memref<!tpu.dma_semaphore, #tpu.memory_space<semaphore_mem>>) {add = true}
      %dma_wait3A_176 = arith.constant 0 : i32
      %dma_wait3A_177 = arith.constant 0 : i32
      %dma_wait3A_178 = tpu.memref_slice %arg8[%run_scoped3A_133, %dma_wait3A_176, %dma_wait3A_177] : memref<2x128x128xf32, #tpu.memory_space<vmem>> -> memref<1x128x128xf32, #tpu.memory_space<vmem>>
      %dma_wait3A_179 = tpu.memref_squeeze %dma_wait3A_178 : memref<1x128x128xf32, #tpu.memory_space<vmem>> -> memref<128x128xf32, #tpu.memory_space<vmem>>
      %dma_wait3A_180 = arith.constant 0 : i32
      %dma_wait3A_181 = tpu.memref_slice %arg6[%run_scoped3A_134, %run_scoped3A_135, %run_scoped3A_136, %dma_wait3A_180] : memref<2x2x2x128xi32, #tpu.memory_space<vmem>> -> memref<1x1x1x128xi32, #tpu.memory_space<vmem>>
      %dma_wait3A_182 = tpu.memref_squeeze %dma_wait3A_181 : memref<1x1x1x128xi32, #tpu.memory_space<vmem>> -> memref<128xi32, #tpu.memory_space<vmem>>
      %dma_wait3A_183 = arith.constant 0 : i32
      %dma_wait3A_184 = arith.constant 0 : i32
      %dma_wait3A_185 = tpu.memref_slice %arg9[%dma_wait3A_183, %dma_wait3A_184] : memref<10112x128xf32, #tpu.memory_space<vmem_shared>> -> memref<10112x128xf32, #tpu.memory_space<vmem_shared>>
      tpu.wait_indirect_dma semaphore(%run_scoped3A_165 : memref<!tpu.dma_semaphore, #tpu.memory_space<semaphore_mem>>) src(%dma_wait3A_179 : memref<128x128xf32, #tpu.memory_space<vmem>>) dst(%dma_wait3A_185 : memref<10112x128xf32, #tpu.memory_space<vmem_shared>>)
      tpu.yield
    }) : () -> ()
    %dma_wait3A_137 = arith.constant 0 : i32
    %dma_wait3A_138 = arith.constant 1 : i32
    %dma_wait3A_139 = arith.constant 0 : i32
    %dma_wait3A_140 = arith.constant 1 : i32
    %dma_wait3A_141 = arith.constant 0 : i32
    %dma_wait3A_142 = arith.constant 0 : i32
    %dma_wait3A_143 = tpu.memref_slice %arg8[%dma_wait3A_140, %dma_wait3A_141, %dma_wait3A_142] : memref<2x128x128xf32, #tpu.memory_space<vmem>> -> memref<1x128x128xf32, #tpu.memory_space<vmem>>
    %dma_wait3A_144 = tpu.memref_squeeze %dma_wait3A_143 : memref<1x128x128xf32, #tpu.memory_space<vmem>> -> memref<128x128xf32, #tpu.memory_space<vmem>>
    %dma_wait3A_145 = arith.constant 0 : i32
    %dma_wait3A_146 = tpu.memref_slice %arg6[%dma_wait3A_137, %dma_wait3A_138, %dma_wait3A_139, %dma_wait3A_145] : memref<2x2x2x128xi32, #tpu.memory_space<vmem>> -> memref<1x1x1x128xi32, #tpu.memory_space<vmem>>
    %dma_wait3A_147 = tpu.memref_squeeze %dma_wait3A_146 : memref<1x1x1x128xi32, #tpu.memory_space<vmem>> -> memref<128xi32, #tpu.memory_space<vmem>>
    %dma_wait3A_148 = arith.constant 0 : i32
    %dma_wait3A_149 = arith.constant 0 : i32
    %dma_wait3A_150 = tpu.memref_slice %arg2[%dma_wait3A_148, %dma_wait3A_149] : memref<10000x128xf32, #tpu.memory_space<hbm>> -> memref<10000x128xf32, #tpu.memory_space<hbm>>
    tpu.wait_indirect_dma semaphore(%arg11 : memref<!tpu.dma_semaphore, #tpu.memory_space<semaphore_mem>>) src(%dma_wait3A_150 : memref<10000x128xf32, #tpu.memory_space<hbm>>) dst(%dma_wait3A_144 : memref<128x128xf32, #tpu.memory_space<vmem>>)
    %run_scoped3A_151 = arith.constant 1 : i32
    %run_scoped3A_152 = arith.constant 0 : i32
    %run_scoped3A_153 = arith.constant 1 : i32
    %run_scoped3A_154 = arith.constant 1 : i32
    "tpu.region"() ({
      %run_scoped3A_165 = tpu.sem_alloc : memref<!tpu.dma_semaphore, #tpu.memory_space<semaphore_mem>>
      %dma_start3A_166 = arith.constant 0 : i32
      %dma_start3A_167 = arith.constant 0 : i32
      %dma_start3A_168 = tpu.memref_slice %arg8[%run_scoped3A_151, %dma_start3A_166, %dma_start3A_167] : memref<2x128x128xf32, #tpu.memory_space<vmem>> -> memref<1x128x128xf32, #tpu.memory_space<vmem>>
      %dma_start3A_169 = tpu.memref_squeeze %dma_start3A_168 : memref<1x128x128xf32, #tpu.memory_space<vmem>> -> memref<128x128xf32, #tpu.memory_space<vmem>>
      %dma_start3A_170 = arith.constant 0 : i32
      %dma_start3A_171 = tpu.memref_slice %arg6[%run_scoped3A_152, %run_scoped3A_153, %run_scoped3A_154, %dma_start3A_170] : memref<2x2x2x128xi32, #tpu.memory_space<vmem>> -> memref<1x1x1x128xi32, #tpu.memory_space<vmem>>
      %dma_start3A_172 = tpu.memref_squeeze %dma_start3A_171 : memref<1x1x1x128xi32, #tpu.memory_space<vmem>> -> memref<128xi32, #tpu.memory_space<vmem>>
      %dma_start3A_173 = arith.constant 0 : i32
      %dma_start3A_174 = arith.constant 0 : i32
      %dma_start3A_175 = tpu.memref_slice %arg9[%dma_start3A_173, %dma_start3A_174] : memref<10112x128xf32, #tpu.memory_space<vmem_shared>> -> memref<10112x128xf32, #tpu.memory_space<vmem_shared>>
      tpu.enqueue_indirect_dma source(%dma_start3A_169 : memref<128x128xf32, #tpu.memory_space<vmem>>) target(%dma_start3A_175 : memref<10112x128xf32, #tpu.memory_space<vmem_shared>>) offsets(%dma_start3A_172 : memref<128xi32, #tpu.memory_space<vmem>>) semaphore(%run_scoped3A_165 : memref<!tpu.dma_semaphore, #tpu.memory_space<semaphore_mem>>) {add = true}
      %dma_wait3A_176 = arith.constant 0 : i32
      %dma_wait3A_177 = arith.constant 0 : i32
      %dma_wait3A_178 = tpu.memref_slice %arg8[%run_scoped3A_151, %dma_wait3A_176, %dma_wait3A_177] : memref<2x128x128xf32, #tpu.memory_space<vmem>> -> memref<1x128x128xf32, #tpu.memory_space<vmem>>
      %dma_wait3A_179 = tpu.memref_squeeze %dma_wait3A_178 : memref<1x128x128xf32, #tpu.memory_space<vmem>> -> memref<128x128xf32, #tpu.memory_space<vmem>>
      %dma_wait3A_180 = arith.constant 0 : i32
      %dma_wait3A_181 = tpu.memref_slice %arg6[%run_scoped3A_152, %run_scoped3A_153, %run_scoped3A_154, %dma_wait3A_180] : memref<2x2x2x128xi32, #tpu.memory_space<vmem>> -> memref<1x1x1x128xi32, #tpu.memory_space<vmem>>
      %dma_wait3A_182 = tpu.memref_squeeze %dma_wait3A_181 : memref<1x1x1x128xi32, #tpu.memory_space<vmem>> -> memref<128xi32, #tpu.memory_space<vmem>>
      %dma_wait3A_183 = arith.constant 0 : i32
      %dma_wait3A_184 = arith.constant 0 : i32
      %dma_wait3A_185 = tpu.memref_slice %arg9[%dma_wait3A_183, %dma_wait3A_184] : memref<10112x128xf32, #tpu.memory_space<vmem_shared>> -> memref<10112x128xf32, #tpu.memory_space<vmem_shared>>
      tpu.wait_indirect_dma semaphore(%run_scoped3A_165 : memref<!tpu.dma_semaphore, #tpu.memory_space<semaphore_mem>>) src(%dma_wait3A_179 : memref<128x128xf32, #tpu.memory_space<vmem>>) dst(%dma_wait3A_185 : memref<10112x128xf32, #tpu.memory_space<vmem_shared>>)
      tpu.yield
    }) : () -> ()
    %lt3A = arith.constant 2 : i32
    %lt3A_155 = arith.cmpi slt, %arg1, %lt3A : i32
    %convert_element_type3A = arith.extui %lt3A_155 : i1 to i32
    %cond3A = arith.constant 0 : i32
    %cond3A_156 = arith.cmpi ne, %convert_element_type3A, %cond3A : i32
    scf.if %cond3A_156 {
      %mul3A_165 = arith.constant 2 : i32
      %mul3A_166 = arith.muli %arg0, %mul3A_165 : i32
      %add3A_167 = arith.addi %mul3A_166, %arg1 : i32
      %mul3A_168 = arith.constant 128 : i32
      %mul3A_169 = arith.muli %add3A_167, %mul3A_168 : i32
      %add3A_170 = arith.constant 319488 : i32
      %add3A_171 = arith.addi %add3A_170, %mul3A_169 : i32
      "tpu.region"() ({
        %run_scoped3A_176 = tpu.sem_alloc : memref<!tpu.dma_semaphore, #tpu.memory_space<semaphore_mem>>
        %dma_start3A_177 = arith.constant 0 : i32
        %dma_start3A_178 = tpu.memref_slice %arg3[%dma_start3A_177, %add3A_171] : memref<2x320000xi32, #tpu.memory_space<hbm>> -> memref<2x128xi32, #tpu.memory_space<hbm>>
        %dma_start3A_179 = arith.constant 0 : i32
        %dma_start3A_180 = tpu.memref_slice %arg3[%dma_start3A_179, %add3A_171] : memref<2x320000xi32, #tpu.memory_space<hbm>> -> memref<2x128xi32, #tpu.memory_space<hbm>>
        tpu.enqueue_dma source(%dma_start3A_180 : memref<2x128xi32, #tpu.memory_space<hbm>>) target(%arg7 : memref<2x128xi32, #tpu.memory_space<vmem>>) target_semaphore(%run_scoped3A_176 : memref<!tpu.dma_semaphore, #tpu.memory_space<semaphore_mem>>)
        %dma_wait3A_181 = arith.constant 0 : i32
        %dma_wait3A_182 = tpu.memref_slice %arg3[%dma_wait3A_181, %add3A_171] : memref<2x320000xi32, #tpu.memory_space<hbm>> -> memref<2x128xi32, #tpu.memory_space<hbm>>
        %dma_wait3A_183 = arith.constant 0 : i32
        %dma_wait3A_184 = tpu.memref_slice %arg3[%dma_wait3A_183, %add3A_171] : memref<2x320000xi32, #tpu.memory_space<hbm>> -> memref<2x128xi32, #tpu.memory_space<hbm>>
        tpu.wait_dma2 semaphore(%run_scoped3A_176 : memref<!tpu.dma_semaphore, #tpu.memory_space<semaphore_mem>>) src(%dma_wait3A_184 : memref<2x128xi32, #tpu.memory_space<hbm>>) dst(%arg7 : memref<2x128xi32, #tpu.memory_space<vmem>>)
        tpu.yield
      }) : () -> ()
      %run_scoped3A_172 = arith.constant 0 : i32
      %run_scoped3A_173 = arith.constant 0 : i32
      "tpu.region"() ({
        %run_scoped3A_176 = tpu.sem_alloc : memref<!tpu.dma_semaphore, #tpu.memory_space<semaphore_mem>>
        %dma_start3A_177 = arith.constant 0 : i32
        %dma_start3A_178 = arith.constant 0 : i32
        %dma_start3A_179 = tpu.memref_slice %arg8[%run_scoped3A_173, %dma_start3A_177, %dma_start3A_178] : memref<2x128x128xf32, #tpu.memory_space<vmem>> -> memref<1x128x128xf32, #tpu.memory_space<vmem>>
        %dma_start3A_180 = tpu.memref_squeeze %dma_start3A_179 : memref<1x128x128xf32, #tpu.memory_space<vmem>> -> memref<128x128xf32, #tpu.memory_space<vmem>>
        %dma_start3A_181 = arith.constant 0 : i32
        %dma_start3A_182 = tpu.memref_slice %arg7[%run_scoped3A_172, %dma_start3A_181] : memref<2x128xi32, #tpu.memory_space<vmem>> -> memref<1x128xi32, #tpu.memory_space<vmem>>
        %dma_start3A_183 = tpu.memref_squeeze %dma_start3A_182 : memref<1x128xi32, #tpu.memory_space<vmem>> -> memref<128xi32, #tpu.memory_space<vmem>>
        %dma_start3A_184 = arith.constant 0 : i32
        %dma_start3A_185 = arith.constant 0 : i32
        %dma_start3A_186 = tpu.memref_slice %arg2[%dma_start3A_184, %dma_start3A_185] : memref<10000x128xf32, #tpu.memory_space<hbm>> -> memref<10000x128xf32, #tpu.memory_space<hbm>>
        tpu.enqueue_indirect_dma source(%dma_start3A_186 : memref<10000x128xf32, #tpu.memory_space<hbm>>) target(%dma_start3A_180 : memref<128x128xf32, #tpu.memory_space<vmem>>) offsets(%dma_start3A_183 : memref<128xi32, #tpu.memory_space<vmem>>) semaphore(%run_scoped3A_176 : memref<!tpu.dma_semaphore, #tpu.memory_space<semaphore_mem>>)
        %dma_wait3A_187 = arith.constant 0 : i32
        %dma_wait3A_188 = arith.constant 0 : i32
        %dma_wait3A_189 = tpu.memref_slice %arg8[%run_scoped3A_173, %dma_wait3A_187, %dma_wait3A_188] : memref<2x128x128xf32, #tpu.memory_space<vmem>> -> memref<1x128x128xf32, #tpu.memory_space<vmem>>
        %dma_wait3A_190 = tpu.memref_squeeze %dma_wait3A_189 : memref<1x128x128xf32, #tpu.memory_space<vmem>> -> memref<128x128xf32, #tpu.memory_space<vmem>>
        %dma_wait3A_191 = arith.constant 0 : i32
        %dma_wait3A_192 = tpu.memref_slice %arg7[%run_scoped3A_172, %dma_wait3A_191] : memref<2x128xi32, #tpu.memory_space<vmem>> -> memref<1x128xi32, #tpu.memory_space<vmem>>
        %dma_wait3A_193 = tpu.memref_squeeze %dma_wait3A_192 : memref<1x128xi32, #tpu.memory_space<vmem>> -> memref<128xi32, #tpu.memory_space<vmem>>
        %dma_wait3A_194 = arith.constant 0 : i32
        %dma_wait3A_195 = arith.constant 0 : i32
        %dma_wait3A_196 = tpu.memref_slice %arg2[%dma_wait3A_194, %dma_wait3A_195] : memref<10000x128xf32, #tpu.memory_space<hbm>> -> memref<10000x128xf32, #tpu.memory_space<hbm>>
        tpu.wait_indirect_dma semaphore(%run_scoped3A_176 : memref<!tpu.dma_semaphore, #tpu.memory_space<semaphore_mem>>) src(%dma_wait3A_196 : memref<10000x128xf32, #tpu.memory_space<hbm>>) dst(%dma_wait3A_190 : memref<128x128xf32, #tpu.memory_space<vmem>>)
        tpu.yield
      }) : () -> ()
      %run_scoped3A_174 = arith.constant 0 : i32
      %run_scoped3A_175 = arith.constant 1 : i32
      "tpu.region"() ({
        %run_scoped3A_176 = tpu.sem_alloc : memref<!tpu.dma_semaphore, #tpu.memory_space<semaphore_mem>>
        %dma_start3A_177 = arith.constant 0 : i32
        %dma_start3A_178 = arith.constant 0 : i32
        %dma_start3A_179 = tpu.memref_slice %arg8[%run_scoped3A_174, %dma_start3A_177, %dma_start3A_178] : memref<2x128x128xf32, #tpu.memory_space<vmem>> -> memref<1x128x128xf32, #tpu.memory_space<vmem>>
        %dma_start3A_180 = tpu.memref_squeeze %dma_start3A_179 : memref<1x128x128xf32, #tpu.memory_space<vmem>> -> memref<128x128xf32, #tpu.memory_space<vmem>>
        %dma_start3A_181 = arith.constant 0 : i32
        %dma_start3A_182 = tpu.memref_slice %arg7[%run_scoped3A_175, %dma_start3A_181] : memref<2x128xi32, #tpu.memory_space<vmem>> -> memref<1x128xi32, #tpu.memory_space<vmem>>
        %dma_start3A_183 = tpu.memref_squeeze %dma_start3A_182 : memref<1x128xi32, #tpu.memory_space<vmem>> -> memref<128xi32, #tpu.memory_space<vmem>>
        %dma_start3A_184 = arith.constant 0 : i32
        %dma_start3A_185 = arith.constant 0 : i32
        %dma_start3A_186 = tpu.memref_slice %arg9[%dma_start3A_184, %dma_start3A_185] : memref<10112x128xf32, #tpu.memory_space<vmem_shared>> -> memref<10112x128xf32, #tpu.memory_space<vmem_shared>>
        tpu.enqueue_indirect_dma source(%dma_start3A_180 : memref<128x128xf32, #tpu.memory_space<vmem>>) target(%dma_start3A_186 : memref<10112x128xf32, #tpu.memory_space<vmem_shared>>) offsets(%dma_start3A_183 : memref<128xi32, #tpu.memory_space<vmem>>) semaphore(%run_scoped3A_176 : memref<!tpu.dma_semaphore, #tpu.memory_space<semaphore_mem>>) {add = true}
        %dma_wait3A_187 = arith.constant 0 : i32
        %dma_wait3A_188 = arith.constant 0 : i32
        %dma_wait3A_189 = tpu.memref_slice %arg8[%run_scoped3A_174, %dma_wait3A_187, %dma_wait3A_188] : memref<2x128x128xf32, #tpu.memory_space<vmem>> -> memref<1x128x128xf32, #tpu.memory_space<vmem>>
        %dma_wait3A_190 = tpu.memref_squeeze %dma_wait3A_189 : memref<1x128x128xf32, #tpu.memory_space<vmem>> -> memref<128x128xf32, #tpu.memory_space<vmem>>
        %dma_wait3A_191 = arith.constant 0 : i32
        %dma_wait3A_192 = tpu.memref_slice %arg7[%run_scoped3A_175, %dma_wait3A_191] : memref<2x128xi32, #tpu.memory_space<vmem>> -> memref<1x128xi32, #tpu.memory_space<vmem>>
        %dma_wait3A_193 = tpu.memref_squeeze %dma_wait3A_192 : memref<1x128xi32, #tpu.memory_space<vmem>> -> memref<128xi32, #tpu.memory_space<vmem>>
        %dma_wait3A_194 = arith.constant 0 : i32
        %dma_wait3A_195 = arith.constant 0 : i32
        %dma_wait3A_196 = tpu.memref_slice %arg9[%dma_wait3A_194, %dma_wait3A_195] : memref<10112x128xf32, #tpu.memory_space<vmem_shared>> -> memref<10112x128xf32, #tpu.memory_space<vmem_shared>>
        tpu.wait_indirect_dma semaphore(%run_scoped3A_176 : memref<!tpu.dma_semaphore, #tpu.memory_space<semaphore_mem>>) src(%dma_wait3A_190 : memref<128x128xf32, #tpu.memory_space<vmem>>) dst(%dma_wait3A_196 : memref<10112x128xf32, #tpu.memory_space<vmem_shared>>)
        tpu.yield
      }) : () -> ()
    } else {
    }
    %barrier3A_157 = arith.constant 0 : index
    tpu.barrier barrier_id(%barrier3A_157)
    %mul3A_158 = arith.constant 632 : i32
    %mul3A_159 = arith.muli %arg1, %mul3A_158 : i32
    %mul3A_160 = arith.constant 10112 : i32
    %mul3A_161 = arith.muli %arg0, %mul3A_160 : i32
    %mul3A_162 = arith.constant 632 : i32
    %mul3A_163 = arith.muli %arg1, %mul3A_162 : i32
    %add3A_164 = arith.addi %mul3A_161, %mul3A_163 : i32
    "tpu.region"() ({
      %run_scoped3A_165 = tpu.sem_alloc : memref<!tpu.dma_semaphore, #tpu.memory_space<semaphore_mem>>
      %dma_start3A_166 = arith.constant 0 : i32
      %dma_start3A_167 = tpu.memref_slice %arg5[%add3A_164, %dma_start3A_166] : memref<20224x128xf32, #tpu.memory_space<hbm>> -> memref<632x128xf32, #tpu.memory_space<hbm>>
      %dma_start3A_168 = arith.constant 0 : i32
      %dma_start3A_169 = tpu.memref_slice %arg9[%mul3A_159, %dma_start3A_168] : memref<10112x128xf32, #tpu.memory_space<vmem_shared>> -> memref<632x128xf32, #tpu.memory_space<vmem_shared>>
      tpu.enqueue_dma source(%dma_start3A_169 : memref<632x128xf32, #tpu.memory_space<vmem_shared>>) target(%dma_start3A_167 : memref<632x128xf32, #tpu.memory_space<hbm>>) target_semaphore(%run_scoped3A_165 : memref<!tpu.dma_semaphore, #tpu.memory_space<semaphore_mem>>)
      %dma_wait3A_170 = arith.constant 0 : i32
      %dma_wait3A_171 = tpu.memref_slice %arg5[%add3A_164, %dma_wait3A_170] : memref<20224x128xf32, #tpu.memory_space<hbm>> -> memref<632x128xf32, #tpu.memory_space<hbm>>
      %dma_wait3A_172 = arith.constant 0 : i32
      %dma_wait3A_173 = tpu.memref_slice %arg9[%mul3A_159, %dma_wait3A_172] : memref<10112x128xf32, #tpu.memory_space<vmem_shared>> -> memref<632x128xf32, #tpu.memory_space<vmem_shared>>
      tpu.wait_dma2 semaphore(%run_scoped3A_165 : memref<!tpu.dma_semaphore, #tpu.memory_space<semaphore_mem>>) src(%dma_wait3A_173 : memref<632x128xf32, #tpu.memory_space<vmem_shared>>) dst(%dma_wait3A_171 : memref<632x128xf32, #tpu.memory_space<hbm>>)
      tpu.yield
    }) : () -> ()
    return
  }
}

module attributes {stable_mosaic.version = 14 : i64} {
  func.func @_tc_self_body(%arg0: i32, %arg1: memref<2000x128xf32, #tpu.memory_space<vmem>>, %arg2: memref<128x128xf32, #tpu.memory_space<vmem>>, %arg3: memref<1x128xf32, #tpu.memory_space<vmem>>, %arg4: memref<2000x128xf32, #tpu.memory_space<vmem>>) attributes {dimension_semantics = [#tpu.dimension_semantics<arbitrary>], iteration_bounds = array<i64: 5>, scalar_prefetch = 0 : i64, scratch_operands = 0 : i64, tpu.core_type = #tpu.core_type<tc>, window_params = [{transform_indices = @transform_0, window_bounds = array<i64: 2000, 128>}, {pipeline_mode = #tpu.pipeline_mode<synchronous>, transform_indices = @transform_1, window_bounds = array<i64: 128, 128>}, {pipeline_mode = #tpu.pipeline_mode<synchronous>, transform_indices = @transform_2, window_bounds = array<i64: 1, 128>}, {transform_indices = @transform_3, window_bounds = array<i64: 2000, 128>}]} {
    %get3A = arith.constant 0 : index
    %get3A_0 = arith.constant 0 : index
    %get3A_1 = vector.load %arg1[%get3A, %get3A_0] : memref<2000x128xf32, #tpu.memory_space<vmem>>, vector<2000x128xf32>
    %get3A_2 = arith.constant 0 : index
    %get3A_3 = arith.constant 0 : index
    %get3A_4 = vector.load %arg2[%get3A_2, %get3A_3] : memref<128x128xf32, #tpu.memory_space<vmem>>, vector<128x128xf32>
    %dot_general3A = arith.constant dense<0.000000e+00> : vector<2000x128xf32>
    %dot_general3A_5 = tpu.matmul %get3A_1, %get3A_4, %dot_general3A {dimension_numbers = #tpu.dot_dimension_numbers<[1], [0], [0], [1], [0, 0, 1, 1], [], []>, transpose_lhs_hint = false} : vector<2000x128xf32>, vector<128x128xf32>, vector<2000x128xf32> -> vector<2000x128xf32>
    %get3A_6 = arith.constant 0 : index
    %get3A_7 = arith.constant 0 : index
    %get3A_8 = vector.load %arg3[%get3A_6, %get3A_7] : memref<1x128xf32, #tpu.memory_space<vmem>>, vector<1x128xf32>
    %add3A = vector.broadcast %get3A_8 : vector<1x128xf32> to vector<2000x128xf32>
    %add3A_9 = arith.addf %dot_general3A_5, %add3A : vector<2000x128xf32>
    %swap3A = arith.constant 0 : index
    %swap3A_10 = arith.constant 0 : index
    %swap3A_11 = vector.load %arg4[%swap3A, %swap3A_10] : memref<2000x128xf32, #tpu.memory_space<vmem>>, vector<2000x128xf32>
    tpu.vector_store %arg4[%swap3A, %swap3A_10], %add3A_9 {strides = array<i32>} : memref<2000x128xf32, #tpu.memory_space<vmem>>, vector<2000x128xf32>,
    return
  }
  func.func @transform_0(%arg0: i32) -> (i32, i32) {
    %c0_i32 = arith.constant 0 : i32
    %c0_i32_0 = arith.constant 0 : i32
    return %arg0, %c0_i32 : i32, i32
  }
  func.func @transform_1(%arg0: i32) -> (i32, i32) {
    %c0_i32 = arith.constant 0 : i32
    %c0_i32_0 = arith.constant 0 : i32
    %c0_i32_1 = arith.constant 0 : i32
    return %c0_i32, %c0_i32_0 : i32, i32
  }
  func.func @transform_2(%arg0: i32) -> (i32, i32) {
    %c0_i32 = arith.constant 0 : i32
    %c0_i32_0 = arith.constant 0 : i32
    %c0_i32_1 = arith.constant 0 : i32
    return %c0_i32, %c0_i32_0 : i32, i32
  }
  func.func @transform_3(%arg0: i32) -> (i32, i32) {
    %c0_i32 = arith.constant 0 : i32
    %c0_i32_0 = arith.constant 0 : i32
    return %arg0, %c0_i32 : i32, i32
  }
}

module attributes {stable_mosaic.version = 14 : i64} {
  func.func @_tc_body(%arg0: i32, %arg1: memref<2x2000x128xf32, #tpu.memory_space<vmem>>, %arg2: memref<2000x128xf32, #tpu.memory_space<vmem>>, %arg3: memref<128x128xf32, #tpu.memory_space<vmem>>, %arg4: memref<2000x128xf32, #tpu.memory_space<vmem>>) attributes {dimension_semantics = [#tpu.dimension_semantics<arbitrary>], iteration_bounds = array<i64: 5>, scalar_prefetch = 0 : i64, scratch_operands = 0 : i64, tpu.core_type = #tpu.core_type<tc>, window_params = [{transform_indices = @transform_0, window_bounds = array<i64: 2, 2000, 128>}, {transform_indices = @transform_1, window_bounds = array<i64: 2000, 128>}, {pipeline_mode = #tpu.pipeline_mode<synchronous>, transform_indices = @transform_2, window_bounds = array<i64: 128, 128>}, {transform_indices = @transform_3, window_bounds = array<i64: 2000, 128>}]} {
    %get3A = arith.constant 0 : index
    %get3A_0 = arith.constant 0 : index
    %get3A_1 = arith.constant 0 : index
    %get3A_2 = vector.load %arg1[%get3A, %get3A_0, %get3A_1] : memref<2x2000x128xf32, #tpu.memory_space<vmem>>, vector<1x2000x128xf32>
    %get3A_3 = vector.shape_cast %get3A_2 : vector<1x2000x128xf32> to vector<2000x128xf32>
    %get3A_4 = arith.constant 1 : index
    %get3A_5 = arith.constant 0 : index
    %get3A_6 = arith.constant 0 : index
    %get3A_7 = vector.load %arg1[%get3A_4, %get3A_5, %get3A_6] : memref<2x2000x128xf32, #tpu.memory_space<vmem>>, vector<1x2000x128xf32>
    %get3A_8 = vector.shape_cast %get3A_7 : vector<1x2000x128xf32> to vector<2000x128xf32>
    %add3A = arith.addf %get3A_3, %get3A_8 : vector<2000x128xf32>
    %get3A_9 = arith.constant 0 : index
    %get3A_10 = arith.constant 0 : index
    %get3A_11 = vector.load %arg3[%get3A_9, %get3A_10] : memref<128x128xf32, #tpu.memory_space<vmem>>, vector<128x128xf32>
    %dot_general3A = arith.constant dense<0.000000e+00> : vector<2000x128xf32>
    %dot_general3A_12 = tpu.matmul %add3A, %get3A_11, %dot_general3A {dimension_numbers = #tpu.dot_dimension_numbers<[1], [0], [0], [1], [0, 0, 1, 1], [], []>, transpose_lhs_hint = false} : vector<2000x128xf32>, vector<128x128xf32>, vector<2000x128xf32> -> vector<2000x128xf32>
    %get3A_13 = arith.constant 0 : index
    %get3A_14 = arith.constant 0 : index
    %get3A_15 = vector.load %arg2[%get3A_13, %get3A_14] : memref<2000x128xf32, #tpu.memory_space<vmem>>, vector<2000x128xf32>
    %add3A_16 = arith.addf %dot_general3A_12, %get3A_15 : vector<2000x128xf32>
    %max3A = arith.constant 0.000000e+00 : f32
    %max3A_17 = vector.broadcast %max3A : f32 to vector<2000x128xf32>
    %max3A_18 = arith.maximumf %add3A_16, %max3A_17 : vector<2000x128xf32>
    %swap3A = arith.constant 0 : index
    %swap3A_19 = arith.constant 0 : index
    %swap3A_20 = vector.load %arg4[%swap3A, %swap3A_19] : memref<2000x128xf32, #tpu.memory_space<vmem>>, vector<2000x128xf32>
    tpu.vector_store %arg4[%swap3A, %swap3A_19], %max3A_18 {strides = array<i32>} : memref<2000x128xf32, #tpu.memory_space<vmem>>, vector<2000x128xf32>,
    return
  }
  func.func @transform_0(%arg0: i32) -> (i32, i32, i32) {
    %c0_i32 = arith.constant 0 : i32
    %c0_i32_0 = arith.constant 0 : i32
    %c0_i32_1 = arith.constant 0 : i32
    return %c0_i32, %arg0, %c0_i32_0 : i32, i32, i32
  }
  func.func @transform_1(%arg0: i32) -> (i32, i32) {
    %c0_i32 = arith.constant 0 : i32
    %c0_i32_0 = arith.constant 0 : i32
    return %arg0, %c0_i32 : i32, i32
  }
  func.func @transform_2(%arg0: i32) -> (i32, i32) {
    %c0_i32 = arith.constant 0 : i32
    %c0_i32_0 = arith.constant 0 : i32
    %c0_i32_1 = arith.constant 0 : i32
    return %c0_i32, %c0_i32_0 : i32, i32
  }
  func.func @transform_3(%arg0: i32) -> (i32, i32) {
    %c0_i32 = arith.constant 0 : i32
    %c0_i32_0 = arith.constant 0 : i32
    return %arg0, %c0_i32 : i32, i32
  }
}

</mosaic_0001>

<sc_bundles>
// kernel: kernel.5.cloned.1.call-start
scs
__scs_entry_jumppad:
0x0: {  	(pc) =	sbr.rel $0x88, $3  }
0x1: {  	(tag) =	ssettag $0x0;
	lr =	simm.s32 $0x1  }
0x2: {  	[smem:$0x3F9C] =	sst lr;
	_ =	strace $0xD0000000  }
0x3: {  	_ = 	snop  }
0x4: {  	_ = 	snop  }
0x5: {  	_ = 	snop  }
0x6: {  	_ = 	snop  }
0x7: {  	_ = 	snop  }
__scs_overlays_trampoline_lowered:
0x8: {  	[smem:$0x3FAB] =	sst s0  }
0x9: {  	[smem:$0x3FAC] =	sst s1  }
0xa: {  	[smem:$0x3FAD] =	sst s2  }
0xb: {  	[smem:$0x3FAE] =	sst s3  }
0xc: {  	[smem:$0x3FAF] =	sst s4  }
0xd: {  	[smem:$0x3FB0] =	sst s5  }
0xe: {  	[smem:$0x3FB1] =	sst s6  }
0xf: {  	[smem:$0x3FB2] =	sst s7  }
0x10: {  	[smem:$0x3FB3] =	sst s8  }
0x11: {  	[smem:$0x3FB4] =	sst s9;
	s0 =	simm.s32 @!p0 $0x0  }
0x12: {  	s1 =	sld [smem:$0x3F9A];
	s0 =	simm.s32 @p0 $0x1  }
0x13: {  	[smem:$0x3FB5] =	sst s0;
	s0 =	simm.s32 @!p1 $0x0  }
0x14: {  	s2 =	sld [smem:$0x3F99];
	s0 =	simm.s32 @p1 $0x1  }
0x15: {  	[smem:$0x3FB6] =	sst s0;
	s0 =	simm.s32 @!p2 $0x0  }
0x16: {  	s3 =	sld [smem:$0x3FDB];
	s0 =	simm.s32 @p2 $0x1  }
0x17: {  	s4 =	simm.s32 $0x1BF5;
	[smem:$0x3FB8] =	sst s0  }
0x18: {  	s0 =	sld [smem:$0x3F9B];
	_ =	swait.ge [sflag:s4], $0x0  }
0x19: {  	s7 =	sld [smem:$0x3F9C]  }
0x1a: {  	s8 =	sadd.s32 $0xFFFFE003, lr  }
0x1b: {  	s9 =	sadd.s32 $0xFFFFFEF7, lr;
	s5 =	simm.s32 $0xFFFFFFFF;
	p2 =	slt.u32 s8, $0xFFFFF086  }
0x1c: {  	p1 =	slt.u32 s9, $0xF7A;
	s5 =	simm.s32 @!p2 $0x0  }
0x1d: {  	s5 =	simm.s32 @p1 $0x1;
	p0 =	seq.s32 s7, s2  }
0x1e: {  	s7 =	smul.u32 @!p0 $0xF7A, s2;
	p2 =	seq.s32 @!p0 s5, $0x0  }
0x1f: {  	s9 =	smul.u32 $0xF7A, s1;
	s8 =	simm.s32 @!p0 $0x1BF5;
	p2 =	por !p2, p0  }
0x20: {  	[sflag:s8] =	ssyncset.s32 @!p0 $0xFFFFF086;
	s6 =	sadd.s32 @!p0 s3, s7;
	s7 =	simm.s32 @!p0 $0x108  }
0x21: {  	s3 =	sadd.s32 s3, s9;
	s6 =	sadd.s32 @!p0 $0x88, s6;
	s7 =	simm.s32 @p2 $0x1082  }
0x22: {  	[simem:s7], [sflag:s8] =	dma.local @!p0 [hbm:s6], $0xF7A  }
0x23: {  	s9 =	sor.u32 $0xD0000000, s2;
	s6 =	simm.s32 $0x108;
	_ =	swait.ge @!p0 [sflag:s8], $0x0  }
0x24: {  	s3 =	sadd.s32 $0x88, s3;
	s6 =	simm.s32 @!p1 $0x1082;
	[sflag:s4] =	ssyncset.s32 $0xFFFFF086  }
0x25: {  	[simem:s6], [sflag:s4] =	dma.local [hbm:s3], $0xF7A  }
0x26: {  	[smem:$0x3F9C] =	sst s1;
	(tag) =	ssettag s2;
	_ =	strace s9  }
0x27: {  	s1 =	sld [smem:$0x3FAC]  }
0x28: {  	s2 =	sld [smem:$0x3FAD]  }
0x29: {  	s4 =	sld [smem:$0x3FAF]  }
0x2a: {  	p0 =	seq.s32 s5, $0x0;
	s5 =	sld [smem:$0x3FB0]  }
0x2b: {  	s6 =	sld [smem:$0x3FB1]  }
0x2c: {  	s7 =	sld [smem:$0x3FB2]  }
0x2d: {  	s3 =	simm.s32 $0x108;
	s8 =	sld [smem:$0x3FB3]  }
0x2e: {  	s3 =	simm.s32 @!p0 $0x1082;
	s9 =	sld [smem:$0x3FB4]  }
0x2f: {  	lr =	sadd.s32 s0, s3;
	s0 =	sld [smem:$0x3FAB]  }
0x30: {  	s3 =	sld [smem:$0x3FAE]  }
0x31: {  	[smem:$0x3FB7] =	sst s10  }
0x32: {  	s10 =	sld [smem:$0x3FB5];
	_ =	sdelay $0x3  }
0x33: {  	p0 =	seq.s32 s10, $0x1;
	s10 =	sld [smem:$0x3FB7];
	_ =	sdelay $0x3  }
0x34: {  	[smem:$0x3FB7] =	sst s10  }
0x35: {  	s10 =	sld [smem:$0x3FB6];
	_ =	sdelay $0x3  }
0x36: {  	p1 =	seq.s32 s10, $0x1;
	s10 =	sld [smem:$0x3FB7];
	_ =	sdelay $0x3  }
0x37: {  	[smem:$0x3FB7] =	sst s10  }
0x38: {  	s10 =	sld [smem:$0x3FB8]  }
0x39: {  	_ = 	snop;
	(pc) =	sbr.ind lr, $3  }
0x3a: {  	_ = 	snop  }
0x3b: {  	_ = 	snop  }
0x3c: {  	p2 =	seq.s32 s10, $0x1;
	s10 =	sld [smem:$0x3FB7]  }
0x3d: {  	_ =	shalt  }
0x3e: {  	_ =	shalt  }
0x3f: {  	_ =	shalt  }
0x40: {  	_ =	shalt  }
0x41: {  	_ =	shalt  }
0x42: {  	_ =	shalt  }
0x43: {  	_ =	shalt  }
0x44: {  	_ =	shalt  }
0x45: {  	_ =	shalt  }
0x46: {  	_ =	shalt  }
0x47: {  	_ =	shalt  }
0x48: {  	_ =	shalt  }
0x49: {  	_ =	shalt  }
0x4a: {  	_ =	shalt  }
0x4b: {  	_ =	shalt  }
0x4c: {  	_ =	shalt  }
0x4d: {  	_ =	shalt  }
0x4e: {  	_ =	shalt  }
0x4f: {  	_ =	shalt  }
0x50: {  	_ =	shalt  }
0x51: {  	_ =	shalt  }
0x52: {  	_ =	shalt  }
0x53: {  	_ =	shalt  }
0x54: {  	_ =	shalt  }
0x55: {  	_ =	shalt  }
0x56: {  	_ =	shalt  }
0x57: {  	_ =	shalt  }
0x58: {  	_ =	shalt  }
0x59: {  	_ =	shalt  }
0x5a: {  	_ =	shalt  }
0x5b: {  	_ =	shalt  }
0x5c: {  	_ =	shalt  }
0x5d: {  	_ =	shalt  }
0x5e: {  	_ =	shalt  }
0x5f: {  	_ =	shalt  }
0x60: {  	_ =	shalt  }
0x61: {  	_ =	shalt  }
0x62: {  	_ =	shalt  }
0x63: {  	_ =	shalt  }
0x64: {  	_ =	shalt  }
0x65: {  	_ =	shalt  }
0x66: {  	_ =	shalt  }
0x67: {  	_ =	shalt  }
0x68: {  	_ =	shalt  }
0x69: {  	_ =	shalt  }
0x6a: {  	_ =	shalt  }
0x6b: {  	_ =	shalt  }
0x6c: {  	_ =	shalt  }
0x6d: {  	_ =	shalt  }
0x6e: {  	_ =	shalt  }
0x6f: {  	_ =	shalt  }
0x70: {  	_ =	shalt  }
0x71: {  	_ =	shalt  }
0x72: {  	_ =	shalt  }
0x73: {  	_ =	shalt  }
0x74: {  	_ =	shalt  }
0x75: {  	_ =	shalt  }
0x76: {  	_ =	shalt  }
0x77: {  	_ =	shalt  }
0x78: {  	_ =	shalt  }
0x79: {  	_ =	shalt  }
0x7a: {  	_ =	shalt  }
0x7b: {  	_ =	shalt  }
0x7c: {  	_ =	shalt  }
0x7d: {  	_ =	shalt  }
0x7e: {  	_ =	shalt  }
0x7f: {  	_ =	shalt  }
0x80: {  	_ =	shalt  }
0x81: {  	_ =	shalt  }
0x82: {  	_ =	shalt  }
0x83: {  	_ =	shalt  }
0x84: {  	_ =	shalt  }
0x85: {  	_ =	shalt  }
0x86: {  	_ =	shalt  }
0x87: {  	_ =	shalt  }
.Lfunc_end0:
.L_simem_size_0:
called_computation_lowered:
.L_overlay_start_0:
0x88: {  	s2 =	sld [smem:$0x3FD9]  }
0x89: {  	s3 =	sld [smem:$0x3FFE];
	_ =	sdelay $0x1  }
0x8a: {  	s1 =	srdreg.scid  }
0x8b: {  	s0 =	sand.u32 $0x1, s1  }
0x8c: {  	s17 =	sshll.u32 s0, $0xA;
	s2 =	sadd.s32 s3, s2  }
0x8d: {  	s2 =	sadd.s32 s2, s17  }
0x8e: {  	[smem:$0x3FC3] =	sst s2  }
0x8f: {  	_ = 	snop  }
0x90: {  	s2 =	sld [smem:$0x3FC9]  }
0x91: {  	s18 =	sld [smem:$0x3FC8]  }
0x92: {  	s4 =	sld [smem:$0x3FD0];
	(tm) =	ssettm $0x1  }
0x93: {  	s5 =	sld [smem:$0x3FFB];
	_ =	sdelay $0x3  }
0x94: {  	_ =	strace s5  }
0x95: {  	s5 =	sld [smem:$0x3FFC];
	_ =	sdelay $0x3  }
0x96: {  	_ =	strace s5  }
0x97: {  	s5 =	sld [smem:$0x3FFD];
	_ =	sdelay $0x3  }
0x98: {  	_ =	strace s5  }
0x99: {  	_ =	strace $0x8FFFFFFF  }
0x9a: {  	s19 =	sld [smem:$0x3FDB];
	_ =	sdelay $0x1  }
0x9b: {  	s6 =	simm.s32 $_scs_section_size  }
0x9c: {  	s7 =	simm.s32 $_size__tile_overlayer_lowered;
	s8 =	simm.s32 $_tile_overlayer_lowered  }
0x9d: {  	s22 =	simm.s32 $0x1BFF;
	s21 =	sshll.u32 s8, $0x1;
	s5 =	sadd.s32 s6, s19  }
0x9e: {  	s9 =	simm.s32 $0x0;
	s20 =	sshll.u32 s7, $0x1;
	s7 =	sadd.s32 s21, s5  }
0x9f: {  	[timem:s9], [sflag:s22] =	dma.local [hbm:s7], s20  }
0xa0: {  	_ =	swait.ge [sflag:s22], s20  }
0xa1: {  	s6 =	ssub.s32 $0x0, s20;
	[sflag:s22] =	ssyncset.done $0x0  }
0xa2: {  	[sflag:s22] =	ssyncadd.s32 s6;
	_ =	sdelay $0x1  }
0xa3: {  	s23 =	simm.s32 $0x1B8B  }
0xa4: {  	_ =	swait.ge [sflag:s23], $0x1  }
0xa5: {  	[sflag:s23] =	ssyncset.done $0x0  }
0xa6: {  	s25 =	simm.s32 $0x1B8E;
	s24 =	sld [smem:$0x3FFE];
	[sflag:s23] =	ssyncadd.s32 $0xFFFFFFFF  }
0xa7: {  	s26 =	simm.s32 $execute0_lowered;
	[smem:$0x3FD2] =	sst s25  }
0xa8: {  	s7 =	sshll.u32 s26, $0x1;
	_ =	strace $0x80000046;
	[dreg:$0x1] =	wrdreg $0xFFFFFFFF  }
0xa9: {  	s28 =	simm.s32 $_size_execute0_lowered;
	s5 =	sadd.s32 s5, s7;
	[dreg:$0x0] =	wrdreg $0x0  }
0xaa: {  	s7 =	sshll.u32 s28, $0x1;
	[dreg:$0x2] =	wrdreg s5  }
0xab: {  	[dreg:$0x3] =	wrdreg s7  }
0xac: {  	[dreg:$0x4] =	wrdreg $0xC0  }
0xad: {  	_ =	task [dreg:s9], $0x5FFFF  }
0xae: {  	[dreg:$0x1] =	wrdreg $0xFFFFFFFF  }
0xaf: {  	[dreg:$0x0] =	wrdreg $0x60  }
0xb0: {  	[dreg:$0x2] =	wrdreg s2  }
0xb1: {  	[dreg:$0x3] =	wrdreg s18  }
0xb2: {  	[dreg:$0x4] =	wrdreg s4  }
0xb3: {  	[dreg:$0x5] =	wrdreg s24  }
0xb4: {  	[dreg:$0x6] =	wrdreg $0x85000  }
0xb5: {  	[dreg:$0x7] =	wrdreg $0x9  }
0xb6: {  	_ =	task.clear_ibuf [dreg:s9], $0x8FFFF;
	_ =	strace $0x90000046  }
0xb7: {  	s29 =	simm.s32 $0x9;
	_ =	strace $0x80000048  }
0xb8: {  	_ =	swait.ge [sflag:s29], $0x1  }
0xb9: {  	[sflag:s29] =	ssyncadd.s32 $0xFFFFFFFF  }
0xba: {  	_ =	strace $0x90000048  }
0xbb: {  	_ =	sfence  }
0xbc: {  	s30 =	sld [smem:$0x0];
	_ =	sdelay $0x2  }
0xbd: {  	s31 =	sshll.u32 s1, $0xD;
	s1 =	sshrl.u32 s1, $0x2  }
0xbe: {  	s3 =	sand.u32 $0x4000, s31;
	s1 =	sadd.s32 s1, s30  }
0xbf: {  	s0 =	sor.u32 s3, s0;
	s1 =	sshll.u32 s1, $0x11  }
0xc0: {  	s0 =	sor.u32 s1, s0  }
0xc1: {  	s0 =	sadd.s32 $0x8F2B, s0  }
0xc2: {  	[sflag:s0] =	ssyncadd.remote.s32 $0x1  }
0xc3: {  	_ =	sfence.sel $0xFFFF  }
0xc4: {  	[dreg:$0x0] =	wrdreg $0xFFFFFFFF;
	(pc) =	sbr.abs _section_cstart, $3  }
0xc5: {  	[dreg:$0x1] =	wrdreg $0xFFFFFFFF  }
0xc6: {  	_ =	task.clear_ibuf [dreg:s9], $0x2FFFF;
	_ =	strace $0x9FFFFFFF  }
0xc7: {  	(tm) =	ssettm $0x7FFFFFFF  }
tec
execute0_lowered:
.L_overlay_start_1:
0x0: {  	(tag) =	ssettag $0x1  }
0x1: {  	s1 =	rddreg [dreg:$0x0]  }
0x2: {  	s2 =	rddreg [dreg:$0x1]  }
0x3: {  	s0 =	rddreg [dreg:$0x3]  }
0x4: {  	s5 =	rddreg [dreg:$0x4];
	s3 =	srdreg.scid  }
0x5: {  	s19 =	stileid.u32;
	s6 =	simm.s32 $0x0;
	s16 =	simm.s32 $0x6  }
0x6: {  	s17 =	simm.s32 $0x100;
	s20 =	simm.s32 $0x80;
	s21 =	simm.s32 $0x500  }
0x7: {  	s22 =	simm.s32 $0x4500;
	s28 =	simm.s32 $0x3;
	s29 =	simm.s32 $0x2  }
0x8: {  	s30 =	simm.s32 $0x4;
	s3 =	sand.u32 $0x1, s3;
	s4 =	smul.u32 $0x2780, s19  }
0x9: {  	[smem:$0x7FF] =	sst s6;
	s13 =	smul.u32 $0x4F000, s19;
	s14 =	sshll.u32 s19, $0x5  }
0xa: {  	s31 =	sshll.u32 s19, $0x6;
	p0 =	sgt.u32 s19, $0x1;
	s7 =	sshll.u32 s3, $0x4  }
0xb: {  	s8 =	smul.u32 $0x27800, s3;
	_ =	strace $0x80000047;
	s9 =	ssub.s32 $0x2, s3  }
0xc: {  	s3 =	sshll.u32 s3, $0x6;
	s14 =	sadd.s32 s14, s2;
	s7 =	sor.u32 s19, s7  }
0xd: {  	s23 =	sor.u32 $0x1C06, s31;
	s24 =	sshrl.u32 s9, $0x1;
	s10 =	smul.u32 $0x9C0, s7  }
0xe: {  	s13 =	sshrl.u32 s13, $0x2;
	s3 =	sadd.s32 s3, s14;
	s11 =	smul.u32 $0x4E00, s7  }
0xf: {  	s4 =	sadd.s32 s4, s8;
	s25 =	ssub.s32 s9, s24;
	s12 =	smul.u32 $0x2700, s7  }
0x10: {  	s8 =	sadd.s32 $0x20, s2;
	s18 =	sadd.s32 s13, s5;
	s13 =	sadd.s32 $0x13800, s3  }
0x11: {  	s0 =	sadd.s32 s4, s0;
	s15 =	smax.u32 s25, $0x1;
	s24 =	sshrl.u32 s18, $0x3  }
0x12: {  	s25 =	simm.s32 $0x5;
	s26 =	sadd.s32 s2, s10;
	s11 =	sshrl.u32 s11, $0x3  }
0x13: {  	s9 =	sadd.s32 s10, s8;
	s12 =	sadd.s32 $0x200, s12;
	s14 =	sadd.s32 $0xE00, s0  }
0x14: {  	s0 =	simm.s32 $0x0;
	[dreg:$0x6] =	wrdreg s26;
	s11 =	sadd.s32 s2, s11  }
0x15: {  	s26 =	simm.s32 $0x1;
	s10 =	sadd.s32 $0x40, s11;
	s11 =	sadd.s32 $0x60, s11  }
.LBB2_1:
0x16: {  	s3 =	rddreg [dreg:$0x6]  }
0x17: {  	[tilespmem:s6], [sflag:$0x6] =	stream.linear.gather [hbm4b:s3+s6], $0x100, $0x38;
	[tilespmem:$0x1C100] =	vst v63  }
0x18: {  	_ =	swait.ge [sflag:s16], $0x100  }
0x19: {  	[sflag:s16] =	ssyncset.done $0x0  }
0x1a: {  	[sflag:s16] =	ssyncadd.s32 $0xFFFFFF00  }
0x1b: {  	[tilespmem:s17], [sflag:$0x6] =	stream.linear.gather [hbm4b:s9+s6], $0x100, $0x38;
	[tilespmem:$0x1C100] =	vst v63  }
0x1c: {  	_ =	swait.ge [sflag:s16], $0x100  }
0x1d: {  	[sflag:s16] =	ssyncset.done $0x0  }
0x1e: {  	s19 =	simm.s32 $0x200;
	[sflag:s16] =	ssyncadd.s32 $0xFFFFFF00  }
0x1f: {  	[tilespmem:s19], [sflag:$0x5] =	stream.linear.gather [hbm4b:s10+s6], $0x100, $0x38;
	[tilespmem:$0x1C100] =	vst v63  }
0x20: {  	s31 =	simm.s32 $0x300  }
0x21: {  	[tilespmem:s31], [sflag:$0x5] =	stream.linear.gather [hbm4b:s11+s6], $0x100, $0x38;
	[tilespmem:$0x1C100] =	vst v63  }
0x22: {  	_ = 	snop  }
0x23: {  	[tilespmem:s21], [sflag:$0x1] =	stream.indirect.gather [hbm4b:s1+s20], $0x80, s6, s20, $0xb8;
	[tilespmem:$0x1C100] =	vst v63  }
0x24: {  	s4 =	rddreg [dreg:$0x2]  }
0x25: {  	[tilespmem:s22], [sflag:$0x2] =	stream.indirect.gather [hbm4b:s1+s20], $0x80, s17, s20, $0xb8;
	[tilespmem:$0x1C100] =	vst v63  }
0x26: {  	[spmem:s24], [sflag:s23] =	dma.local [hbm:s4], $0x2780  }
0x27: {  	_ =	swait.ge [sflag:s16], $0x2780  }
0x28: {  	[sflag:s16] =	ssyncset.done $0x0  }
0x29: {  	[sflag:s16] =	ssyncadd.s32 $0xFFFFD880  }
0x2a: {  	[bflag:$0x0] =	sbarrier.arrive $0xFFFF  }
0x2b: {  	_ =	swait.ge [sflag:s25], $0x100  }
0x2c: {  	[sflag:s25] =	ssyncset.done $0x0  }
0x2d: {  	[sflag:s25] =	ssyncadd.s32 $0xFFFFFF00  }
0x2e: {  	_ =	swait.ge [sflag:s25], $0x100  }
0x2f: {  	[sflag:s25] =	ssyncset.done $0x0  }
0x30: {  	[sflag:s25] =	ssyncadd.s32 $0xFFFFFF00  }
0x31: {  	_ =	swait.ge [sflag:s26], $0x4000  }
0x32: {  	s7 =	sand.u32 $0x200, s6;
	[sflag:s26] =	ssyncset.done $0x0  }
0x33: {  	s4 =	sor.u32 $0x80, s7;
	[sflag:s26] =	ssyncadd.s32 $0xFFFFC000  }
0x34: {  	[spmem:s5] =	stream.indirect.scatter.add.f32 [tilespmem:s21], [sflag:$0x3], $0x80, s4, s20, $0xb8;
	[tilespmem:$0x1C100] =	vst v63  }
0x35: {  	_ =	swait.ge [sflag:s28], $0x4000  }
0x36: {  	[sflag:s28] =	ssyncset.done $0x0  }
0x37: {  	s18 =	sxor.u32 $0x200, s7;
	[sflag:s28] =	ssyncadd.s32 $0xFFFFC000  }
0x38: {  	[tilespmem:s21], [sflag:$0x1] =	stream.indirect.gather [hbm4b:s1+s20], $0x80, s18, s20, $0xb8;
	[tilespmem:$0x1C100] =	vst v63  }
0x39: {  	_ =	swait.ge [sflag:s29], $0x4000  }
0x3a: {  	[sflag:s29] =	ssyncset.done $0x0  }
0x3b: {  	s19 =	sor.u32 $0x180, s7;
	s31 =	smin.u32 s6, $0x24;
	[sflag:s29] =	ssyncadd.s32 $0xFFFFC000  }
0x3c: {  	[spmem:s5] =	stream.indirect.scatter.add.f32 [tilespmem:s22], [sflag:$0x4], $0x80, s19, s20, $0xb8;
	[tilespmem:$0x1C100] =	vst v63  }
0x3d: {  	s4 =	sshll.u32 s31, $0x8;
	_ =	swait.ge [sflag:s30], $0x4000  }
0x3e: {  	s4 =	sadd.s32 s4, s12;
	[sflag:s30] =	ssyncset.done $0x0  }
0x3f: {  	s18 =	sxor.u32 $0x300, s7;
	s19 =	sshrl.u32 s4, $0x2;
	[sflag:s30] =	ssyncadd.s32 $0xFFFFC000  }
0x40: {  	[tilespmem:s22], [sflag:$0x2] =	stream.indirect.gather [hbm4b:s1+s20], $0x80, s18, s20, $0xb8;
	[tilespmem:$0x1C100] =	vst v63  }
0x41: {  	s3 =	simm.s32 $0x0;
	s4 =	sadd.s32 s2, s19  }
0x42: {  	[tilespmem:s7], [sflag:$0x5] =	stream.linear.gather [hbm4b:s4+s6], $0x100, $0x38;
	[tilespmem:$0x1C100] =	vst v63  }
0x43: {  	s19 =	sadd.s32 s19, s8;
	s18 =	sor.u32 $0x100, s7;
	s4 =	simm.s32 $0x1  }
.LBB2_2:
0x44: {  	p1 =	sne.s32 s4, $0x25  }
0x45: {  	s3 =	sadd.s32 $0x200, s3;
	s31 =	smov.u32 s4;
	s4 =	sadd.s32 $0x1, s4  }
0x46: {  	[tilespmem:s18], [sflag:$0x5] =	stream.linear.gather [hbm4b:s19+s6], $0x100, $0x38;
	[tilespmem:$0x1C100] =	vst v63  }
0x47: {  	_ =	swait.ge [sflag:s25], $0x100  }
0x48: {  	[sflag:s25] =	ssyncset.done $0x0  }
0x49: {  	[sflag:s25] =	ssyncadd.s32 $0xFFFFFF00  }
0x4a: {  	_ =	swait.ge [sflag:s25], $0x100  }
0x4b: {  	[sflag:s25] =	ssyncset.done $0x0  }
0x4c: {  	[sflag:s25] =	ssyncadd.s32 $0xFFFFFF00  }
0x4d: {  	_ =	swait.ge [sflag:s26], $0x4000  }
0x4e: {  	s7 =	sand.u32 $0x200, s3;
	[sflag:s26] =	ssyncset.done $0x0  }
0x4f: {  	s19 =	sor.u32 $0x80, s7;
	s18 =	sor.u32 $0x100, s7;
	[sflag:s26] =	ssyncadd.s32 $0xFFFFC000  }
0x50: {  	[spmem:s5] =	stream.indirect.scatter.add.f32 [tilespmem:s21], [sflag:$0x3], $0x80, s19, s20, $0xb8;
	[tilespmem:$0x1C100] =	vst v63  }
0x51: {  	_ =	swait.ge [sflag:s28], $0x4000  }
0x52: {  	[sflag:s28] =	ssyncset.done $0x0  }
0x53: {  	s19 =	sxor.u32 $0x200, s7;
	[sflag:s28] =	ssyncadd.s32 $0xFFFFC000  }
0x54: {  	[tilespmem:s21], [sflag:$0x1] =	stream.indirect.gather [hbm4b:s1+s20], $0x80, s19, s20, $0xb8;
	[tilespmem:$0x1C100] =	vst v63  }
0x55: {  	_ =	swait.ge [sflag:s29], $0x4000  }
0x56: {  	[sflag:s29] =	ssyncset.done $0x0  }
0x57: {  	s19 =	sor.u32 $0x180, s7;
	[sflag:s29] =	ssyncadd.s32 $0xFFFFC000  }
0x58: {  	[spmem:s5] =	stream.indirect.scatter.add.f32 [tilespmem:s22], [sflag:$0x4], $0x80, s19, s20, $0xb8;
	[tilespmem:$0x1C100] =	vst v63  }
0x59: {  	s19 =	smin.u32 s31, $0x24;
	_ =	swait.ge [sflag:s30], $0x4000  }
0x5a: {  	s31 =	sxor.u32 $0x300, s7;
	s19 =	sshll.u32 s19, $0x8;
	[sflag:s30] =	ssyncset.done $0x0  }
.Ltmp0:
0x5b: {  	s19 =	sadd.s32 s19, s12;
	[sflag:s30] =	ssyncadd.s32 $0xFFFFC000;
	(pc) =	sbr.rel @p1 .LBB2_2-.Ltmp0, $4  }
0x5c: {  	[tilespmem:s22], [sflag:$0x2] =	stream.indirect.gather [hbm4b:s1+s20], $0x80, s31, s20, $0xb8;
	[tilespmem:$0x1C100] =	vst v63  }
0x5d: {  	s19 =	sshrl.u32 s19, $0x2  }
0x5e: {  	s31 =	sadd.s32 s2, s19;
	s19 =	sadd.s32 s19, s8  }
0x5f: {  	[tilespmem:s7], [sflag:$0x5] =	stream.linear.gather [hbm4b:s31+s6], $0x100, $0x38;
	[tilespmem:$0x1C100] =	vst v63  }
0x60: {  	[tilespmem:s18], [sflag:$0x5] =	stream.linear.gather [hbm4b:s19+s6], $0x100, $0x38;
	[tilespmem:$0x1C100] =	vst v63  }
0x61: {  	_ =	swait.ge [sflag:s25], $0x100  }
0x62: {  	[sflag:s25] =	ssyncset.done $0x0  }
0x63: {  	[sflag:s25] =	ssyncadd.s32 $0xFFFFFF00  }
0x64: {  	_ =	swait.ge [sflag:s25], $0x100  }
0x65: {  	[sflag:s25] =	ssyncset.done $0x0  }
0x66: {  	[sflag:s25] =	ssyncadd.s32 $0xFFFFFF00  }
0x67: {  	_ =	swait.ge [sflag:s26], $0x4000  }
0x68: {  	[sflag:s26] =	ssyncset.done $0x0  }
0x69: {  	[sflag:s26] =	ssyncadd.s32 $0xFFFFC000  }
0x6a: {  	[spmem:s5] =	stream.indirect.scatter.add.f32 [tilespmem:s21], [sflag:$0x6], $0x80, s20, s20, $0xb8;
	[tilespmem:$0x1C100] =	vst v63  }
0x6b: {  	_ =	swait.ge [sflag:s16], $0x4000  }
0x6c: {  	[sflag:s16] =	ssyncset.done $0x0  }
0x6d: {  	[sflag:s16] =	ssyncadd.s32 $0xFFFFC000  }
0x6e: {  	_ =	swait.ge [sflag:s29], $0x4000  }
0x6f: {  	[sflag:s29] =	ssyncset.done $0x0  }
0x70: {  	s3 =	simm.s32 $0x180;
	[sflag:s29] =	ssyncadd.s32 $0xFFFFC000  }
0x71: {  	[spmem:s5] =	stream.indirect.scatter.add.f32 [tilespmem:s22], [sflag:$0x6], $0x80, s3, s20, $0xb8;
	[tilespmem:$0x1C100] =	vst v63  }
0x72: {  	_ =	swait.ge [sflag:s16], $0x4000  }
0x73: {  	[sflag:s16] =	ssyncset.done $0x0  }
0x74: {  	s4 =	simm.s32 @!p0 $0x400;
	s3 =	simm.s32 @!p0 $0x0;
	[sflag:s16] =	ssyncadd.s32 $0xFFFFC000  }
0x75: {  	[tilespmem:s4], [sflag:$0x6] =	stream.linear.gather @!p0 [hbm4b:s13+s3], $0x100, $0x38;
	[tilespmem:$0x1C100] =	vst v63  }
0x76: {  	s3 =	simm.s32 @!p0 $0x6  }
0x77: {  	_ =	swait.ge @!p0 [sflag:s3], $0x100  }
0x78: {  	[sflag:s3] =	ssyncset.done @!p0 $0x0  }
0x79: {  	s7 =	simm.s32 @!p0 $0x80;
	s18 =	simm.s32 @!p0 $0x500;
	[sflag:s3] =	ssyncadd.s32 @!p0 $0xFFFFFF00  }
0x7a: {  	[tilespmem:s18], [sflag:$0x6] =	stream.indirect.gather @!p0 [hbm4b:s1+s7], $0x80, s4, s7, $0xb8;
	[tilespmem:$0x1C100] =	vst v63  }
0x7b: {  	_ =	swait.ge @!p0 [sflag:s3], $0x4000  }
0x7c: {  	[sflag:s3] =	ssyncset.done @!p0 $0x0  }
0x7d: {  	s4 =	simm.s32 @!p0 $0x480;
	[sflag:s3] =	ssyncadd.s32 @!p0 $0xFFFFC000  }
0x7e: {  	[spmem:s5] =	stream.indirect.scatter.add.f32 @!p0 [tilespmem:s18], [sflag:$0x6], $0x80, s4, s7, $0xb8;
	[tilespmem:$0x1C100] =	vst v63  }
0x7f: {  	_ =	swait.ge @!p0 [sflag:s3], $0x4000  }
0x80: {  	s0 =	sadd.s32 $0x1, s0;
	[sflag:s3] =	ssyncset.done @!p0 $0x0  }
0x81: {  	p1 =	sne.s32 s0, s15;
	[sflag:s3] =	ssyncadd.s32 @!p0 $0xFFFFC000  }
.Ltmp1:
0x82: {  	[bflag:$0x0] =	sbarrier.arrive $0xFFFF;
	(pc) =	sbr.rel @p1 .LBB2_1-.Ltmp1, $4  }
0x83: {  	[hbm:s14], [sflag:s23] =	dma.local [spmem:s24], $0x2780  }
0x84: {  	_ =	swait.ge [sflag:s16], $0x2780  }
0x85: {  	[sflag:s16] =	ssyncset.done $0x0  }
0x86: {  	[sflag:s16] =	ssyncadd.s32 $0xFFFFD880  }
0x87: {  	_ =	sfence.sel $0x180000  }
0x88: {  	[bflag:$0x0] =	sbarrier.arrive $0xFFFF  }
0x89: {  	_ =	strace $0x90000047  }
0x8a: {  	s0 =	stileid.u32;
	[bflag:$0x2] =	sbarrier.arrive $0xFFFF  }
0x8b: {  	p0 =	sne.s32 s0, $0x0;
	s0 =	rddreg [dreg:$0x5]  }
0x8c: {  	s0 =	sadd.s32 @!p0 $0x100000, s0  }
0x8d: {  	[sflag:s0] =	ssyncadd.tile.s32 @!p0 $0x1;
	_ =	shalt  }
.Lfunc_end2:
_tile_overlayer_lowered:
.L_overlay_start_2:
0x8e: {  	(tag) =	ssettag $0x2  }
0x8f: {  	s0 =	rddreg [dreg:$0x0];
	s2 =	stileid.u32  }
0x90: {  	s1 =	rddreg [dreg:$0x1];
	p0 =	sne.s32 s2, $0x0  }
0x91: {  	s3 =	rddreg [dreg:$0x2];
	[bflag:$0x3] =	sbarrier.arrive $0xFFFF;
	s2 =	simm.s32 @!p0 $0x1C06  }
0x92: {  	[timem:s3], [sflag:s2] =	dma.local @!p0 [hbm:s0], s1  }
0x93: {  	s0 =	simm.s32 @!p0 $0x6  }
0x94: {  	_ =	swait.ge @!p0 [sflag:s0], s1  }
0x95: {  	s1 =	ssub.s32 @!p0 $0x0, s1;
	[sflag:s0] =	ssyncset.done @!p0 $0x0  }
0x96: {  	[sflag:s0] =	ssyncadd.s32 @!p0 s1  }
0x97: {  	[bflag:$0x3] =	sbarrier.arrive $0xFFFF  }
0x98: {  	_ =	shalt  }

</sc_bundles>
